<compile_context>
chip_gen: v7x
topology: tpu7x:2x2x1
jax: 0.10.2.dev20260603
libtpu: 0.0.44.dev20260713+nightly
codegen_flags: <defaults>
</compile_context>

<pallas_src>
import functools

import jax
import jax.numpy as jnp
from jax import lax
from jax.experimental import pallas as pl
from jax.experimental.pallas import tpu as pltpu
from jax.experimental.pallas import tpu_sc as plsc

_RING = 8


@functools.cache
def _make_gather(V: int, D: int, B: int):
  info = plsc.get_sparse_core_info()
  nw = info.num_cores * info.num_subcores
  b_per_w = B // nw
  n_groups = b_per_w // _RING
  mesh = plsc.VectorSubcoreMesh(core_axis_name="c", subcore_axis_name="s")
  tail_start = V - 128
  tail_cut = (V // 128) * 128

  @functools.partial(
      pl.kernel,
      mesh=mesh,
      out_type=jax.ShapeDtypeStruct((D, B), jnp.float32),
      scratch_types=[
          pltpu.VMEM((b_per_w + 16,), jnp.int32),
          [pltpu.VMEM((D, 128), jnp.float32) for _ in range(_RING)],
          pltpu.VMEM((D, b_per_w), jnp.float32),
          pltpu.SemaphoreType.DMA((_RING,)),
      ],
      compiler_params=pltpu.CompilerParams(needs_layout_passes=False),
  )
  def gather_kernel(idx_hbm, table_hbm, aux_hbm, out_hbm, idx_v, slabs, out_v,
                    sems):
    wid = lax.axis_index("s") * info.num_cores + lax.axis_index("c")
    base = wid * b_per_w
    pltpu.sync_copy(idx_hbm.at[pl.ds(base, b_per_w)], idx_v.at[pl.ds(0, b_per_w)])

    rows = [lax.iota(jnp.int32, 16) + 16 * k for k in range(4)]

    def fire(slot, a):
      c = pl.multiple_of((jnp.minimum(a, tail_cut - 1) // 128) * 128, 128)

      @pl.when(a < tail_cut)
      def _():
        pltpu.async_copy(table_hbm.at[:, pl.ds(c, 128)], slabs[slot],
                         sems.at[slot])

      @pl.when(a >= tail_cut)
      def _():
        pltpu.async_copy(aux_hbm, slabs[slot], sems.at[slot])

    vec0 = idx_v[pl.ds(0, 16)]
    for j in range(_RING):
      fire(j, vec0[j])

    def group(i):
      cur = idx_v[pl.ds(i * _RING, 16)]
      nxt = idx_v[pl.ds(i * _RING + _RING, 16)]
      lanes = jnp.where(cur >= tail_cut, cur - tail_start, cur % 128)
      for j in range(_RING):
        lane = jnp.full((16,), lanes[j], jnp.int32)
        pos = jnp.full((16,), i * _RING + j, jnp.int32)
        pltpu.make_async_copy(
            table_hbm.at[:, pl.ds(0, 128)], slabs[j], sems.at[j]
        ).wait()
        vals = None
        for k in range(4):
          vals = plsc.load_gather(slabs[j], [rows[k], lane])
          plsc.store_scatter(out_v, [rows[k], pos], vals)
        guard = plsc.bitcast(vals, jnp.int32)[0] & 0

        @pl.when(i < n_groups - 1)
        def _():
          fire(j, nxt[j] + guard)

    pl.loop(0, n_groups)(group)
    g = plsc.bitcast(out_v[0, pl.ds(0, 16)], jnp.int32)[0] & 0
    pltpu.sync_copy(
        out_v, out_hbm.at[:, pl.ds(pl.multiple_of(base + g, 128), b_per_w)])

  return gather_kernel


def kernel(input, action_embedding):
  B = input.shape[0]
  V, D = action_embedding.shape
  idx = input.astype(jnp.int32).reshape(B)
  aux = action_embedding[V - 128:].T
  out_t = _make_gather(V, D, B)(idx, action_embedding.T, aux)
  return out_t.T

# --- scband reference (transcript-rebuilt; emitter-appended) ---
"""Pipeline reference for scband-embed-action-4303557230799 (READ-ONLY COPY).

The authoritative reference and input builder live on the scoring server;
editing this copy changes nothing except your own understanding.
"""

import jax, jax.numpy as jnp
import numpy as np

NUM_ACTIONS = 1000000
LATENT_DIM = 64
BATCH = 16384

def setup_inputs(seed: int = 0) -> dict:
    key = jax.random.key(seed)
    k1, k2 = jax.random.split(key)
    input_ids = jax.random.randint(k1, (BATCH, 1), 0, NUM_ACTIONS, dtype=jnp.int64 if jax.config.jax_enable_x64 else jnp.int32)
    input_ids = input_ids.astype(jnp.int32)
    action_embedding = jax.random.normal(k2, (NUM_ACTIONS, LATENT_DIM), dtype=jnp.float32)
    return {"input": input_ids, "action_embedding": action_embedding}

def reference(input, action_embedding):
    idx = input[:, 0].astype(jnp.int32)
    output = jnp.take(action_embedding, idx, axis=0)
    return output

if __name__ == "__main__":
    import jax
    _d = setup_inputs()
    print(jax.jit(kernel)(*tuple(_d.values())))

</pallas_src>

<mosaic_0001>
#map = affine_map<(d0, d1) -> (0)>
#map1 = affine_map<(d0, d1) -> (0, 0)>
module attributes {stable_mosaic.version = 14 : i64} {
  func.func @gather_kernel(%arg0: i32, %arg1: i32, %arg2: memref<16384xi32, #tpu.memory_space<hbm>>, %arg3: memref<64x1000000xf32, #tpu.memory_space<hbm>>, %arg4: memref<64x128xf32, #tpu.memory_space<hbm>>, %arg5: memref<64x16384xf32, #tpu.memory_space<hbm>>, %arg6: memref<528xi32, #tpu.memory_space<vmem>>, %arg7: memref<64x128xf32, #tpu.memory_space<vmem>>, %arg8: memref<64x128xf32, #tpu.memory_space<vmem>>, %arg9: memref<64x128xf32, #tpu.memory_space<vmem>>, %arg10: memref<64x128xf32, #tpu.memory_space<vmem>>, %arg11: memref<64x128xf32, #tpu.memory_space<vmem>>, %arg12: memref<64x128xf32, #tpu.memory_space<vmem>>, %arg13: memref<64x128xf32, #tpu.memory_space<vmem>>, %arg14: memref<64x128xf32, #tpu.memory_space<vmem>>, %arg15: memref<64x512xf32, #tpu.memory_space<vmem>>, %arg16: memref<8x!tpu.dma_semaphore, #tpu.memory_space<semaphore_mem>>) attributes {dimension_semantics = [#tpu.dimension_semantics<core_parallel>, #tpu.dimension_semantics<subcore_parallel>], iteration_bounds = array<i64: 2, 16>, scalar_prefetch = 0 : i64, scratch_operands = 11 : i64, tpu.core_type = #tpu.core_type<sc_vector_subcore>, window_params = [{transform_indices = #map}, {transform_indices = #map1}, {transform_indices = #map1}, {transform_indices = #map1}]} {
    %mul3A = arith.constant 2 : i32
    %mul3A_0 = arith.muli %arg1, %mul3A : i32
    %add3A = arith.addi %mul3A_0, %arg0 : i32
    %mul3A_1 = arith.constant 512 : i32
    %mul3A_2 = arith.muli %add3A, %mul3A_1 : i32
    "tpu.region"() ({
      %run_scoped3A = tpu.sem_alloc : memref<!tpu.dma_semaphore, #tpu.memory_space<semaphore_mem>>
      %dma_start3A = arith.constant 0 : i32
      %dma_start3A_345 = tpu.memref_slice %arg6[%dma_start3A] : memref<528xi32, #tpu.memory_space<vmem>> -> memref<512xi32, #tpu.memory_space<vmem>>
      %dma_start3A_346 = tpu.memref_slice %arg2[%mul3A_2] : memref<16384xi32, #tpu.memory_space<hbm>> -> memref<512xi32, #tpu.memory_space<hbm>>
      %dma_start3A_347 = arith.constant 0 : i32
      %dma_start3A_348 = tpu.memref_slice %arg6[%dma_start3A_347] : memref<528xi32, #tpu.memory_space<vmem>> -> memref<512xi32, #tpu.memory_space<vmem>>
      %dma_start3A_349 = tpu.memref_slice %arg2[%mul3A_2] : memref<16384xi32, #tpu.memory_space<hbm>> -> memref<512xi32, #tpu.memory_space<hbm>>
      tpu.enqueue_dma source(%dma_start3A_349 : memref<512xi32, #tpu.memory_space<hbm>>) target(%dma_start3A_348 : memref<512xi32, #tpu.memory_space<vmem>>) target_semaphore(%run_scoped3A : memref<!tpu.dma_semaphore, #tpu.memory_space<semaphore_mem>>)
      %dma_wait3A = arith.constant 0 : i32
      %dma_wait3A_350 = tpu.memref_slice %arg6[%dma_wait3A] : memref<528xi32, #tpu.memory_space<vmem>> -> memref<512xi32, #tpu.memory_space<vmem>>
      %dma_wait3A_351 = tpu.memref_slice %arg2[%mul3A_2] : memref<16384xi32, #tpu.memory_space<hbm>> -> memref<512xi32, #tpu.memory_space<hbm>>
      %dma_wait3A_352 = arith.constant 0 : i32
      %dma_wait3A_353 = tpu.memref_slice %arg6[%dma_wait3A_352] : memref<528xi32, #tpu.memory_space<vmem>> -> memref<512xi32, #tpu.memory_space<vmem>>
      %dma_wait3A_354 = tpu.memref_slice %arg2[%mul3A_2] : memref<16384xi32, #tpu.memory_space<hbm>> -> memref<512xi32, #tpu.memory_space<hbm>>
      tpu.wait_dma2 semaphore(%run_scoped3A : memref<!tpu.dma_semaphore, #tpu.memory_space<semaphore_mem>>) src(%dma_wait3A_354 : memref<512xi32, #tpu.memory_space<hbm>>) dst(%dma_wait3A_353 : memref<512xi32, #tpu.memory_space<vmem>>)
      tpu.yield
    }) : () -> ()
    %iota3A = tpu.iota {dimensions = array<i32: 0>} : vector<16xi32>
    %add3A_3 = arith.constant 0 : i32
    %add3A_4 = vector.broadcast %add3A_3 : i32 to vector<16xi32>
    %add3A_5 = arith.addi %iota3A, %add3A_4 : vector<16xi32>
    %iota3A_6 = tpu.iota {dimensions = array<i32: 0>} : vector<16xi32>
    %add3A_7 = arith.constant 16 : i32
    %add3A_8 = vector.broadcast %add3A_7 : i32 to vector<16xi32>
    %add3A_9 = arith.addi %iota3A_6, %add3A_8 : vector<16xi32>
    %iota3A_10 = tpu.iota {dimensions = array<i32: 0>} : vector<16xi32>
    %add3A_11 = arith.constant 32 : i32
    %add3A_12 = vector.broadcast %add3A_11 : i32 to vector<16xi32>
    %add3A_13 = arith.addi %iota3A_10, %add3A_12 : vector<16xi32>
    %iota3A_14 = tpu.iota {dimensions = array<i32: 0>} : vector<16xi32>
    %add3A_15 = arith.constant 48 : i32
    %add3A_16 = vector.broadcast %add3A_15 : i32 to vector<16xi32>
    %add3A_17 = arith.addi %iota3A_14, %add3A_16 : vector<16xi32>
    %get3A = arith.constant 0 : index
    %get3A_18 = tpu.vector_load %arg6[%get3A] {strides = array<i32>} : memref<528xi32, #tpu.memory_space<vmem>>, vector<16xi32>,
    %slice3A = vector.extract_strided_slice %get3A_18 {offsets = [0], sizes = [1], strides = [1]} : vector<16xi32> to vector<1xi32>
    %squeeze3A = vector.extract %slice3A[0] : i32 from vector<1xi32>
    %min3A = arith.constant 999935 : i32
    %min3A_19 = arith.minsi %squeeze3A, %min3A : i32
    %jit3A = arith.constant 128 : i32
    %div3A = arith.divsi %min3A_19, %jit3A : i32
    %sign3A = arith.constant 0 : i32
    %sign3A_20 = arith.cmpi sgt, %min3A_19, %sign3A : i32
    %sign3A_21 = arith.extui %sign3A_20 : i1 to i32
    %sign3A_22 = arith.constant 0 : i32
    %sign3A_23 = arith.cmpi slt, %min3A_19, %sign3A_22 : i32
    %sign3A_24 = arith.extui %sign3A_23 : i1 to i32
    %sign3A_25 = arith.subi %sign3A_21, %sign3A_24 : i32
    %sign3A_26 = arith.constant 0 : i32
    %sign3A_27 = arith.cmpi sgt, %jit3A, %sign3A_26 : i32
    %sign3A_28 = arith.extui %sign3A_27 : i1 to i32
    %sign3A_29 = arith.constant 0 : i32
    %sign3A_30 = arith.cmpi slt, %jit3A, %sign3A_29 : i32
    %sign3A_31 = arith.extui %sign3A_30 : i1 to i32
    %sign3A_32 = arith.subi %sign3A_28, %sign3A_31 : i32
    %ne3A = arith.cmpi ne, %sign3A_25, %sign3A_32 : i32
    %rem3A = arith.remsi %min3A_19, %jit3A : i32
    %ne3A_33 = arith.constant 0 : i32
    %ne3A_34 = arith.cmpi ne, %rem3A, %ne3A_33 : i32
    %and3A = arith.andi %ne3A, %ne3A_34 : i1
    %sub3A = arith.constant 1 : i32
    %sub3A_35 = arith.subi %div3A, %sub3A : i32
    %select_n3A = arith.select %and3A, %sub3A_35, %div3A : i32
    %mul3A_36 = arith.constant 128 : i32
    %mul3A_37 = arith.muli %select_n3A, %mul3A_36 : i32
    %multiple_of3A = tpu.assume_multiple %mul3A_37, 128 : i32
    %lt3A = arith.constant 999936 : i32
    %lt3A_38 = arith.cmpi slt, %squeeze3A, %lt3A : i32
    %convert_element_type3A = arith.extui %lt3A_38 : i1 to i32
    %cond3A = arith.constant 0 : i32
    %cond3A_39 = arith.cmpi ne, %convert_element_type3A, %cond3A : i32
    scf.if %cond3A_39 {
      %dma_start3A = arith.constant 0 : i32
      %dma_start3A_345 = arith.constant 0 : i32
      %dma_start3A_346 = tpu.memref_slice %arg3[%dma_start3A_345, %multiple_of3A] : memref<64x1000000xf32, #tpu.memory_space<hbm>> -> memref<64x128xf32, #tpu.memory_space<hbm>>
      %dma_start3A_347 = tpu.memref_slice %arg16[%dma_start3A] : memref<8x!tpu.dma_semaphore, #tpu.memory_space<semaphore_mem>> -> memref<1x!tpu.dma_semaphore, #tpu.memory_space<semaphore_mem>>
      %dma_start3A_348 = tpu.memref_squeeze %dma_start3A_347 : memref<1x!tpu.dma_semaphore, #tpu.memory_space<semaphore_mem>> -> memref<!tpu.dma_semaphore, #tpu.memory_space<semaphore_mem>>
      %dma_start3A_349 = arith.constant 0 : i32
      %dma_start3A_350 = tpu.memref_slice %arg3[%dma_start3A_349, %multiple_of3A] : memref<64x1000000xf32, #tpu.memory_space<hbm>> -> memref<64x128xf32, #tpu.memory_space<hbm>>
      tpu.enqueue_dma source(%dma_start3A_350 : memref<64x128xf32, #tpu.memory_space<hbm>>) target(%arg7 : memref<64x128xf32, #tpu.memory_space<vmem>>) target_semaphore(%dma_start3A_348 : memref<!tpu.dma_semaphore, #tpu.memory_space<semaphore_mem>>)
    } else {
    }
    %ge3A = arith.constant 999936 : i32
    %ge3A_40 = arith.cmpi sge, %squeeze3A, %ge3A : i32
    %convert_element_type3A_41 = arith.extui %ge3A_40 : i1 to i32
    %cond3A_42 = arith.constant 0 : i32
    %cond3A_43 = arith.cmpi ne, %convert_element_type3A_41, %cond3A_42 : i32
    scf.if %cond3A_43 {
      %dma_start3A = arith.constant 0 : i32
      %dma_start3A_345 = tpu.memref_slice %arg16[%dma_start3A] : memref<8x!tpu.dma_semaphore, #tpu.memory_space<semaphore_mem>> -> memref<1x!tpu.dma_semaphore, #tpu.memory_space<semaphore_mem>>
      %dma_start3A_346 = tpu.memref_squeeze %dma_start3A_345 : memref<1x!tpu.dma_semaphore, #tpu.memory_space<semaphore_mem>> -> memref<!tpu.dma_semaphore, #tpu.memory_space<semaphore_mem>>
      tpu.enqueue_dma source(%arg4 : memref<64x128xf32, #tpu.memory_space<hbm>>) target(%arg7 : memref<64x128xf32, #tpu.memory_space<vmem>>) target_semaphore(%dma_start3A_346 : memref<!tpu.dma_semaphore, #tpu.memory_space<semaphore_mem>>)
    } else {
    }
    %slice3A_44 = vector.extract_strided_slice %get3A_18 {offsets = [1], sizes = [1], strides = [1]} : vector<16xi32> to vector<1xi32>
    %squeeze3A_45 = vector.extract %slice3A_44[0] : i32 from vector<1xi32>
    %min3A_46 = arith.constant 999935 : i32
    %min3A_47 = arith.minsi %squeeze3A_45, %min3A_46 : i32
    %jit3A_48 = arith.constant 128 : i32
    %div3A_49 = arith.divsi %min3A_47, %jit3A_48 : i32
    %sign3A_50 = arith.constant 0 : i32
    %sign3A_51 = arith.cmpi sgt, %min3A_47, %sign3A_50 : i32
    %sign3A_52 = arith.extui %sign3A_51 : i1 to i32
    %sign3A_53 = arith.constant 0 : i32
    %sign3A_54 = arith.cmpi slt, %min3A_47, %sign3A_53 : i32
    %sign3A_55 = arith.extui %sign3A_54 : i1 to i32
    %sign3A_56 = arith.subi %sign3A_52, %sign3A_55 : i32
    %sign3A_57 = arith.constant 0 : i32
    %sign3A_58 = arith.cmpi sgt, %jit3A_48, %sign3A_57 : i32
    %sign3A_59 = arith.extui %sign3A_58 : i1 to i32
    %sign3A_60 = arith.constant 0 : i32
    %sign3A_61 = arith.cmpi slt, %jit3A_48, %sign3A_60 : i32
    %sign3A_62 = arith.extui %sign3A_61 : i1 to i32
    %sign3A_63 = arith.subi %sign3A_59, %sign3A_62 : i32
    %ne3A_64 = arith.cmpi ne, %sign3A_56, %sign3A_63 : i32
    %rem3A_65 = arith.remsi %min3A_47, %jit3A_48 : i32
    %ne3A_66 = arith.constant 0 : i32
    %ne3A_67 = arith.cmpi ne, %rem3A_65, %ne3A_66 : i32
    %and3A_68 = arith.andi %ne3A_64, %ne3A_67 : i1
    %sub3A_69 = arith.constant 1 : i32
    %sub3A_70 = arith.subi %div3A_49, %sub3A_69 : i32
    %select_n3A_71 = arith.select %and3A_68, %sub3A_70, %div3A_49 : i32
    %mul3A_72 = arith.constant 128 : i32
    %mul3A_73 = arith.muli %select_n3A_71, %mul3A_72 : i32
    %multiple_of3A_74 = tpu.assume_multiple %mul3A_73, 128 : i32
    %lt3A_75 = arith.constant 999936 : i32
    %lt3A_76 = arith.cmpi slt, %squeeze3A_45, %lt3A_75 : i32
    %convert_element_type3A_77 = arith.extui %lt3A_76 : i1 to i32
    %cond3A_78 = arith.constant 0 : i32
    %cond3A_79 = arith.cmpi ne, %convert_element_type3A_77, %cond3A_78 : i32
    scf.if %cond3A_79 {
      %dma_start3A = arith.constant 1 : i32
      %dma_start3A_345 = arith.constant 0 : i32
      %dma_start3A_346 = tpu.memref_slice %arg3[%dma_start3A_345, %multiple_of3A_74] : memref<64x1000000xf32, #tpu.memory_space<hbm>> -> memref<64x128xf32, #tpu.memory_space<hbm>>
      %dma_start3A_347 = tpu.memref_slice %arg16[%dma_start3A] : memref<8x!tpu.dma_semaphore, #tpu.memory_space<semaphore_mem>> -> memref<1x!tpu.dma_semaphore, #tpu.memory_space<semaphore_mem>>
      %dma_start3A_348 = tpu.memref_squeeze %dma_start3A_347 : memref<1x!tpu.dma_semaphore, #tpu.memory_space<semaphore_mem>> -> memref<!tpu.dma_semaphore, #tpu.memory_space<semaphore_mem>>
      %dma_start3A_349 = arith.constant 0 : i32
      %dma_start3A_350 = tpu.memref_slice %arg3[%dma_start3A_349, %multiple_of3A_74] : memref<64x1000000xf32, #tpu.memory_space<hbm>> -> memref<64x128xf32, #tpu.memory_space<hbm>>
      tpu.enqueue_dma source(%dma_start3A_350 : memref<64x128xf32, #tpu.memory_space<hbm>>) target(%arg8 : memref<64x128xf32, #tpu.memory_space<vmem>>) target_semaphore(%dma_start3A_348 : memref<!tpu.dma_semaphore, #tpu.memory_space<semaphore_mem>>)
    } else {
    }
    %ge3A_80 = arith.constant 999936 : i32
    %ge3A_81 = arith.cmpi sge, %squeeze3A_45, %ge3A_80 : i32
    %convert_element_type3A_82 = arith.extui %ge3A_81 : i1 to i32
    %cond3A_83 = arith.constant 0 : i32
    %cond3A_84 = arith.cmpi ne, %convert_element_type3A_82, %cond3A_83 : i32
    scf.if %cond3A_84 {
      %dma_start3A = arith.constant 1 : i32
      %dma_start3A_345 = tpu.memref_slice %arg16[%dma_start3A] : memref<8x!tpu.dma_semaphore, #tpu.memory_space<semaphore_mem>> -> memref<1x!tpu.dma_semaphore, #tpu.memory_space<semaphore_mem>>
      %dma_start3A_346 = tpu.memref_squeeze %dma_start3A_345 : memref<1x!tpu.dma_semaphore, #tpu.memory_space<semaphore_mem>> -> memref<!tpu.dma_semaphore, #tpu.memory_space<semaphore_mem>>
      tpu.enqueue_dma source(%arg4 : memref<64x128xf32, #tpu.memory_space<hbm>>) target(%arg8 : memref<64x128xf32, #tpu.memory_space<vmem>>) target_semaphore(%dma_start3A_346 : memref<!tpu.dma_semaphore, #tpu.memory_space<semaphore_mem>>)
    } else {
    }
    %slice3A_85 = vector.extract_strided_slice %get3A_18 {offsets = [2], sizes = [1], strides = [1]} : vector<16xi32> to vector<1xi32>
    %squeeze3A_86 = vector.extract %slice3A_85[0] : i32 from vector<1xi32>
    %min3A_87 = arith.constant 999935 : i32
    %min3A_88 = arith.minsi %squeeze3A_86, %min3A_87 : i32
    %jit3A_89 = arith.constant 128 : i32
    %div3A_90 = arith.divsi %min3A_88, %jit3A_89 : i32
    %sign3A_91 = arith.constant 0 : i32
    %sign3A_92 = arith.cmpi sgt, %min3A_88, %sign3A_91 : i32
    %sign3A_93 = arith.extui %sign3A_92 : i1 to i32
    %sign3A_94 = arith.constant 0 : i32
    %sign3A_95 = arith.cmpi slt, %min3A_88, %sign3A_94 : i32
    %sign3A_96 = arith.extui %sign3A_95 : i1 to i32
    %sign3A_97 = arith.subi %sign3A_93, %sign3A_96 : i32
    %sign3A_98 = arith.constant 0 : i32
    %sign3A_99 = arith.cmpi sgt, %jit3A_89, %sign3A_98 : i32
    %sign3A_100 = arith.extui %sign3A_99 : i1 to i32
    %sign3A_101 = arith.constant 0 : i32
    %sign3A_102 = arith.cmpi slt, %jit3A_89, %sign3A_101 : i32
    %sign3A_103 = arith.extui %sign3A_102 : i1 to i32
    %sign3A_104 = arith.subi %sign3A_100, %sign3A_103 : i32
    %ne3A_105 = arith.cmpi ne, %sign3A_97, %sign3A_104 : i32
    %rem3A_106 = arith.remsi %min3A_88, %jit3A_89 : i32
    %ne3A_107 = arith.constant 0 : i32
    %ne3A_108 = arith.cmpi ne, %rem3A_106, %ne3A_107 : i32
    %and3A_109 = arith.andi %ne3A_105, %ne3A_108 : i1
    %sub3A_110 = arith.constant 1 : i32
    %sub3A_111 = arith.subi %div3A_90, %sub3A_110 : i32
    %select_n3A_112 = arith.select %and3A_109, %sub3A_111, %div3A_90 : i32
    %mul3A_113 = arith.constant 128 : i32
    %mul3A_114 = arith.muli %select_n3A_112, %mul3A_113 : i32
    %multiple_of3A_115 = tpu.assume_multiple %mul3A_114, 128 : i32
    %lt3A_116 = arith.constant 999936 : i32
    %lt3A_117 = arith.cmpi slt, %squeeze3A_86, %lt3A_116 : i32
    %convert_element_type3A_118 = arith.extui %lt3A_117 : i1 to i32
    %cond3A_119 = arith.constant 0 : i32
    %cond3A_120 = arith.cmpi ne, %convert_element_type3A_118, %cond3A_119 : i32
    scf.if %cond3A_120 {
      %dma_start3A = arith.constant 2 : i32
      %dma_start3A_345 = arith.constant 0 : i32
      %dma_start3A_346 = tpu.memref_slice %arg3[%dma_start3A_345, %multiple_of3A_115] : memref<64x1000000xf32, #tpu.memory_space<hbm>> -> memref<64x128xf32, #tpu.memory_space<hbm>>
      %dma_start3A_347 = tpu.memref_slice %arg16[%dma_start3A] : memref<8x!tpu.dma_semaphore, #tpu.memory_space<semaphore_mem>> -> memref<1x!tpu.dma_semaphore, #tpu.memory_space<semaphore_mem>>
      %dma_start3A_348 = tpu.memref_squeeze %dma_start3A_347 : memref<1x!tpu.dma_semaphore, #tpu.memory_space<semaphore_mem>> -> memref<!tpu.dma_semaphore, #tpu.memory_space<semaphore_mem>>
      %dma_start3A_349 = arith.constant 0 : i32
      %dma_start3A_350 = tpu.memref_slice %arg3[%dma_start3A_349, %multiple_of3A_115] : memref<64x1000000xf32, #tpu.memory_space<hbm>> -> memref<64x128xf32, #tpu.memory_space<hbm>>
      tpu.enqueue_dma source(%dma_start3A_350 : memref<64x128xf32, #tpu.memory_space<hbm>>) target(%arg9 : memref<64x128xf32, #tpu.memory_space<vmem>>) target_semaphore(%dma_start3A_348 : memref<!tpu.dma_semaphore, #tpu.memory_space<semaphore_mem>>)
    } else {
    }
    %ge3A_121 = arith.constant 999936 : i32
    %ge3A_122 = arith.cmpi sge, %squeeze3A_86, %ge3A_121 : i32
    %convert_element_type3A_123 = arith.extui %ge3A_122 : i1 to i32
    %cond3A_124 = arith.constant 0 : i32
    %cond3A_125 = arith.cmpi ne, %convert_element_type3A_123, %cond3A_124 : i32
    scf.if %cond3A_125 {
      %dma_start3A = arith.constant 2 : i32
      %dma_start3A_345 = tpu.memref_slice %arg16[%dma_start3A] : memref<8x!tpu.dma_semaphore, #tpu.memory_space<semaphore_mem>> -> memref<1x!tpu.dma_semaphore, #tpu.memory_space<semaphore_mem>>
      %dma_start3A_346 = tpu.memref_squeeze %dma_start3A_345 : memref<1x!tpu.dma_semaphore, #tpu.memory_space<semaphore_mem>> -> memref<!tpu.dma_semaphore, #tpu.memory_space<semaphore_mem>>
      tpu.enqueue_dma source(%arg4 : memref<64x128xf32, #tpu.memory_space<hbm>>) target(%arg9 : memref<64x128xf32, #tpu.memory_space<vmem>>) target_semaphore(%dma_start3A_346 : memref<!tpu.dma_semaphore, #tpu.memory_space<semaphore_mem>>)
    } else {
    }
    %slice3A_126 = vector.extract_strided_slice %get3A_18 {offsets = [3], sizes = [1], strides = [1]} : vector<16xi32> to vector<1xi32>
    %squeeze3A_127 = vector.extract %slice3A_126[0] : i32 from vector<1xi32>
    %min3A_128 = arith.constant 999935 : i32
    %min3A_129 = arith.minsi %squeeze3A_127, %min3A_128 : i32
    %jit3A_130 = arith.constant 128 : i32
    %div3A_131 = arith.divsi %min3A_129, %jit3A_130 : i32
    %sign3A_132 = arith.constant 0 : i32
    %sign3A_133 = arith.cmpi sgt, %min3A_129, %sign3A_132 : i32
    %sign3A_134 = arith.extui %sign3A_133 : i1 to i32
    %sign3A_135 = arith.constant 0 : i32
    %sign3A_136 = arith.cmpi slt, %min3A_129, %sign3A_135 : i32
    %sign3A_137 = arith.extui %sign3A_136 : i1 to i32
    %sign3A_138 = arith.subi %sign3A_134, %sign3A_137 : i32
    %sign3A_139 = arith.constant 0 : i32
    %sign3A_140 = arith.cmpi sgt, %jit3A_130, %sign3A_139 : i32
    %sign3A_141 = arith.extui %sign3A_140 : i1 to i32
    %sign3A_142 = arith.constant 0 : i32
    %sign3A_143 = arith.cmpi slt, %jit3A_130, %sign3A_142 : i32
    %sign3A_144 = arith.extui %sign3A_143 : i1 to i32
    %sign3A_145 = arith.subi %sign3A_141, %sign3A_144 : i32
    %ne3A_146 = arith.cmpi ne, %sign3A_138, %sign3A_145 : i32
    %rem3A_147 = arith.remsi %min3A_129, %jit3A_130 : i32
    %ne3A_148 = arith.constant 0 : i32
    %ne3A_149 = arith.cmpi ne, %rem3A_147, %ne3A_148 : i32
    %and3A_150 = arith.andi %ne3A_146, %ne3A_149 : i1
    %sub3A_151 = arith.constant 1 : i32
    %sub3A_152 = arith.subi %div3A_131, %sub3A_151 : i32
    %select_n3A_153 = arith.select %and3A_150, %sub3A_152, %div3A_131 : i32
    %mul3A_154 = arith.constant 128 : i32
    %mul3A_155 = arith.muli %select_n3A_153, %mul3A_154 : i32
    %multiple_of3A_156 = tpu.assume_multiple %mul3A_155, 128 : i32
    %lt3A_157 = arith.constant 999936 : i32
    %lt3A_158 = arith.cmpi slt, %squeeze3A_127, %lt3A_157 : i32
    %convert_element_type3A_159 = arith.extui %lt3A_158 : i1 to i32
    %cond3A_160 = arith.constant 0 : i32
    %cond3A_161 = arith.cmpi ne, %convert_element_type3A_159, %cond3A_160 : i32
    scf.if %cond3A_161 {
      %dma_start3A = arith.constant 3 : i32
      %dma_start3A_345 = arith.constant 0 : i32
      %dma_start3A_346 = tpu.memref_slice %arg3[%dma_start3A_345, %multiple_of3A_156] : memref<64x1000000xf32, #tpu.memory_space<hbm>> -> memref<64x128xf32, #tpu.memory_space<hbm>>
      %dma_start3A_347 = tpu.memref_slice %arg16[%dma_start3A] : memref<8x!tpu.dma_semaphore, #tpu.memory_space<semaphore_mem>> -> memref<1x!tpu.dma_semaphore, #tpu.memory_space<semaphore_mem>>
      %dma_start3A_348 = tpu.memref_squeeze %dma_start3A_347 : memref<1x!tpu.dma_semaphore, #tpu.memory_space<semaphore_mem>> -> memref<!tpu.dma_semaphore, #tpu.memory_space<semaphore_mem>>
      %dma_start3A_349 = arith.constant 0 : i32
      %dma_start3A_350 = tpu.memref_slice %arg3[%dma_start3A_349, %multiple_of3A_156] : memref<64x1000000xf32, #tpu.memory_space<hbm>> -> memref<64x128xf32, #tpu.memory_space<hbm>>
      tpu.enqueue_dma source(%dma_start3A_350 : memref<64x128xf32, #tpu.memory_space<hbm>>) target(%arg10 : memref<64x128xf32, #tpu.memory_space<vmem>>) target_semaphore(%dma_start3A_348 : memref<!tpu.dma_semaphore, #tpu.memory_space<semaphore_mem>>)
    } else {
    }
    %ge3A_162 = arith.constant 999936 : i32
    %ge3A_163 = arith.cmpi sge, %squeeze3A_127, %ge3A_162 : i32
    %convert_element_type3A_164 = arith.extui %ge3A_163 : i1 to i32
    %cond3A_165 = arith.constant 0 : i32
    %cond3A_166 = arith.cmpi ne, %convert_element_type3A_164, %cond3A_165 : i32
    scf.if %cond3A_166 {
      %dma_start3A = arith.constant 3 : i32
      %dma_start3A_345 = tpu.memref_slice %arg16[%dma_start3A] : memref<8x!tpu.dma_semaphore, #tpu.memory_space<semaphore_mem>> -> memref<1x!tpu.dma_semaphore, #tpu.memory_space<semaphore_mem>>
      %dma_start3A_346 = tpu.memref_squeeze %dma_start3A_345 : memref<1x!tpu.dma_semaphore, #tpu.memory_space<semaphore_mem>> -> memref<!tpu.dma_semaphore, #tpu.memory_space<semaphore_mem>>
      tpu.enqueue_dma source(%arg4 : memref<64x128xf32, #tpu.memory_space<hbm>>) target(%arg10 : memref<64x128xf32, #tpu.memory_space<vmem>>) target_semaphore(%dma_start3A_346 : memref<!tpu.dma_semaphore, #tpu.memory_space<semaphore_mem>>)
    } else {
    }
    %slice3A_167 = vector.extract_strided_slice %get3A_18 {offsets = [4], sizes = [1], strides = [1]} : vector<16xi32> to vector<1xi32>
    %squeeze3A_168 = vector.extract %slice3A_167[0] : i32 from vector<1xi32>
    %min3A_169 = arith.constant 999935 : i32
    %min3A_170 = arith.minsi %squeeze3A_168, %min3A_169 : i32
    %jit3A_171 = arith.constant 128 : i32
    %div3A_172 = arith.divsi %min3A_170, %jit3A_171 : i32
    %sign3A_173 = arith.constant 0 : i32
    %sign3A_174 = arith.cmpi sgt, %min3A_170, %sign3A_173 : i32
    %sign3A_175 = arith.extui %sign3A_174 : i1 to i32
    %sign3A_176 = arith.constant 0 : i32
    %sign3A_177 = arith.cmpi slt, %min3A_170, %sign3A_176 : i32
    %sign3A_178 = arith.extui %sign3A_177 : i1 to i32
    %sign3A_179 = arith.subi %sign3A_175, %sign3A_178 : i32
    %sign3A_180 = arith.constant 0 : i32
    %sign3A_181 = arith.cmpi sgt, %jit3A_171, %sign3A_180 : i32
    %sign3A_182 = arith.extui %sign3A_181 : i1 to i32
    %sign3A_183 = arith.constant 0 : i32
    %sign3A_184 = arith.cmpi slt, %jit3A_171, %sign3A_183 : i32
    %sign3A_185 = arith.extui %sign3A_184 : i1 to i32
    %sign3A_186 = arith.subi %sign3A_182, %sign3A_185 : i32
    %ne3A_187 = arith.cmpi ne, %sign3A_179, %sign3A_186 : i32
    %rem3A_188 = arith.remsi %min3A_170, %jit3A_171 : i32
    %ne3A_189 = arith.constant 0 : i32
    %ne3A_190 = arith.cmpi ne, %rem3A_188, %ne3A_189 : i32
    %and3A_191 = arith.andi %ne3A_187, %ne3A_190 : i1
    %sub3A_192 = arith.constant 1 : i32
    %sub3A_193 = arith.subi %div3A_172, %sub3A_192 : i32
    %select_n3A_194 = arith.select %and3A_191, %sub3A_193, %div3A_172 : i32
    %mul3A_195 = arith.constant 128 : i32
    %mul3A_196 = arith.muli %select_n3A_194, %mul3A_195 : i32
    %multiple_of3A_197 = tpu.assume_multiple %mul3A_196, 128 : i32
    %lt3A_198 = arith.constant 999936 : i32
    %lt3A_199 = arith.cmpi slt, %squeeze3A_168, %lt3A_198 : i32
    %convert_element_type3A_200 = arith.extui %lt3A_199 : i1 to i32
    %cond3A_201 = arith.constant 0 : i32
    %cond3A_202 = arith.cmpi ne, %convert_element_type3A_200, %cond3A_201 : i32
    scf.if %cond3A_202 {
      %dma_start3A = arith.constant 4 : i32
      %dma_start3A_345 = arith.constant 0 : i32
      %dma_start3A_346 = tpu.memref_slice %arg3[%dma_start3A_345, %multiple_of3A_197] : memref<64x1000000xf32, #tpu.memory_space<hbm>> -> memref<64x128xf32, #tpu.memory_space<hbm>>
      %dma_start3A_347 = tpu.memref_slice %arg16[%dma_start3A] : memref<8x!tpu.dma_semaphore, #tpu.memory_space<semaphore_mem>> -> memref<1x!tpu.dma_semaphore, #tpu.memory_space<semaphore_mem>>
      %dma_start3A_348 = tpu.memref_squeeze %dma_start3A_347 : memref<1x!tpu.dma_semaphore, #tpu.memory_space<semaphore_mem>> -> memref<!tpu.dma_semaphore, #tpu.memory_space<semaphore_mem>>
      %dma_start3A_349 = arith.constant 0 : i32
      %dma_start3A_350 = tpu.memref_slice %arg3[%dma_start3A_349, %multiple_of3A_197] : memref<64x1000000xf32, #tpu.memory_space<hbm>> -> memref<64x128xf32, #tpu.memory_space<hbm>>
      tpu.enqueue_dma source(%dma_start3A_350 : memref<64x128xf32, #tpu.memory_space<hbm>>) target(%arg11 : memref<64x128xf32, #tpu.memory_space<vmem>>) target_semaphore(%dma_start3A_348 : memref<!tpu.dma_semaphore, #tpu.memory_space<semaphore_mem>>)
    } else {
    }
    %ge3A_203 = arith.constant 999936 : i32
    %ge3A_204 = arith.cmpi sge, %squeeze3A_168, %ge3A_203 : i32
    %convert_element_type3A_205 = arith.extui %ge3A_204 : i1 to i32
    %cond3A_206 = arith.constant 0 : i32
    %cond3A_207 = arith.cmpi ne, %convert_element_type3A_205, %cond3A_206 : i32
    scf.if %cond3A_207 {
      %dma_start3A = arith.constant 4 : i32
      %dma_start3A_345 = tpu.memref_slice %arg16[%dma_start3A] : memref<8x!tpu.dma_semaphore, #tpu.memory_space<semaphore_mem>> -> memref<1x!tpu.dma_semaphore, #tpu.memory_space<semaphore_mem>>
      %dma_start3A_346 = tpu.memref_squeeze %dma_start3A_345 : memref<1x!tpu.dma_semaphore, #tpu.memory_space<semaphore_mem>> -> memref<!tpu.dma_semaphore, #tpu.memory_space<semaphore_mem>>
      tpu.enqueue_dma source(%arg4 : memref<64x128xf32, #tpu.memory_space<hbm>>) target(%arg11 : memref<64x128xf32, #tpu.memory_space<vmem>>) target_semaphore(%dma_start3A_346 : memref<!tpu.dma_semaphore, #tpu.memory_space<semaphore_mem>>)
    } else {
    }
    %slice3A_208 = vector.extract_strided_slice %get3A_18 {offsets = [5], sizes = [1], strides = [1]} : vector<16xi32> to vector<1xi32>
    %squeeze3A_209 = vector.extract %slice3A_208[0] : i32 from vector<1xi32>
    %min3A_210 = arith.constant 999935 : i32
    %min3A_211 = arith.minsi %squeeze3A_209, %min3A_210 : i32
    %jit3A_212 = arith.constant 128 : i32
    %div3A_213 = arith.divsi %min3A_211, %jit3A_212 : i32
    %sign3A_214 = arith.constant 0 : i32
    %sign3A_215 = arith.cmpi sgt, %min3A_211, %sign3A_214 : i32
    %sign3A_216 = arith.extui %sign3A_215 : i1 to i32
    %sign3A_217 = arith.constant 0 : i32
    %sign3A_218 = arith.cmpi slt, %min3A_211, %sign3A_217 : i32
    %sign3A_219 = arith.extui %sign3A_218 : i1 to i32
    %sign3A_220 = arith.subi %sign3A_216, %sign3A_219 : i32
    %sign3A_221 = arith.constant 0 : i32
    %sign3A_222 = arith.cmpi sgt, %jit3A_212, %sign3A_221 : i32
    %sign3A_223 = arith.extui %sign3A_222 : i1 to i32
    %sign3A_224 = arith.constant 0 : i32
    %sign3A_225 = arith.cmpi slt, %jit3A_212, %sign3A_224 : i32
    %sign3A_226 = arith.extui %sign3A_225 : i1 to i32
    %sign3A_227 = arith.subi %sign3A_223, %sign3A_226 : i32
    %ne3A_228 = arith.cmpi ne, %sign3A_220, %sign3A_227 : i32
    %rem3A_229 = arith.remsi %min3A_211, %jit3A_212 : i32
    %ne3A_230 = arith.constant 0 : i32
    %ne3A_231 = arith.cmpi ne, %rem3A_229, %ne3A_230 : i32
    %and3A_232 = arith.andi %ne3A_228, %ne3A_231 : i1
    %sub3A_233 = arith.constant 1 : i32
    %sub3A_234 = arith.subi %div3A_213, %sub3A_233 : i32
    %select_n3A_235 = arith.select %and3A_232, %sub3A_234, %div3A_213 : i32
    %mul3A_236 = arith.constant 128 : i32
    %mul3A_237 = arith.muli %select_n3A_235, %mul3A_236 : i32
    %multiple_of3A_238 = tpu.assume_multiple %mul3A_237, 128 : i32
    %lt3A_239 = arith.constant 999936 : i32
    %lt3A_240 = arith.cmpi slt, %squeeze3A_209, %lt3A_239 : i32
    %convert_element_type3A_241 = arith.extui %lt3A_240 : i1 to i32
    %cond3A_242 = arith.constant 0 : i32
    %cond3A_243 = arith.cmpi ne, %convert_element_type3A_241, %cond3A_242 : i32
    scf.if %cond3A_243 {
      %dma_start3A = arith.constant 5 : i32
      %dma_start3A_345 = arith.constant 0 : i32
      %dma_start3A_346 = tpu.memref_slice %arg3[%dma_start3A_345, %multiple_of3A_238] : memref<64x1000000xf32, #tpu.memory_space<hbm>> -> memref<64x128xf32, #tpu.memory_space<hbm>>
      %dma_start3A_347 = tpu.memref_slice %arg16[%dma_start3A] : memref<8x!tpu.dma_semaphore, #tpu.memory_space<semaphore_mem>> -> memref<1x!tpu.dma_semaphore, #tpu.memory_space<semaphore_mem>>
      %dma_start3A_348 = tpu.memref_squeeze %dma_start3A_347 : memref<1x!tpu.dma_semaphore, #tpu.memory_space<semaphore_mem>> -> memref<!tpu.dma_semaphore, #tpu.memory_space<semaphore_mem>>
      %dma_start3A_349 = arith.constant 0 : i32
      %dma_start3A_350 = tpu.memref_slice %arg3[%dma_start3A_349, %multiple_of3A_238] : memref<64x1000000xf32, #tpu.memory_space<hbm>> -> memref<64x128xf32, #tpu.memory_space<hbm>>
      tpu.enqueue_dma source(%dma_start3A_350 : memref<64x128xf32, #tpu.memory_space<hbm>>) target(%arg12 : memref<64x128xf32, #tpu.memory_space<vmem>>) target_semaphore(%dma_start3A_348 : memref<!tpu.dma_semaphore, #tpu.memory_space<semaphore_mem>>)
    } else {
    }
    %ge3A_244 = arith.constant 999936 : i32
    %ge3A_245 = arith.cmpi sge, %squeeze3A_209, %ge3A_244 : i32
    %convert_element_type3A_246 = arith.extui %ge3A_245 : i1 to i32
    %cond3A_247 = arith.constant 0 : i32
    %cond3A_248 = arith.cmpi ne, %convert_element_type3A_246, %cond3A_247 : i32
    scf.if %cond3A_248 {
      %dma_start3A = arith.constant 5 : i32
      %dma_start3A_345 = tpu.memref_slice %arg16[%dma_start3A] : memref<8x!tpu.dma_semaphore, #tpu.memory_space<semaphore_mem>> -> memref<1x!tpu.dma_semaphore, #tpu.memory_space<semaphore_mem>>
      %dma_start3A_346 = tpu.memref_squeeze %dma_start3A_345 : memref<1x!tpu.dma_semaphore, #tpu.memory_space<semaphore_mem>> -> memref<!tpu.dma_semaphore, #tpu.memory_space<semaphore_mem>>
      tpu.enqueue_dma source(%arg4 : memref<64x128xf32, #tpu.memory_space<hbm>>) target(%arg12 : memref<64x128xf32, #tpu.memory_space<vmem>>) target_semaphore(%dma_start3A_346 : memref<!tpu.dma_semaphore, #tpu.memory_space<semaphore_mem>>)
    } else {
    }
    %slice3A_249 = vector.extract_strided_slice %get3A_18 {offsets = [6], sizes = [1], strides = [1]} : vector<16xi32> to vector<1xi32>
    %squeeze3A_250 = vector.extract %slice3A_249[0] : i32 from vector<1xi32>
    %min3A_251 = arith.constant 999935 : i32
    %min3A_252 = arith.minsi %squeeze3A_250, %min3A_251 : i32
    %jit3A_253 = arith.constant 128 : i32
    %div3A_254 = arith.divsi %min3A_252, %jit3A_253 : i32
    %sign3A_255 = arith.constant 0 : i32
    %sign3A_256 = arith.cmpi sgt, %min3A_252, %sign3A_255 : i32
    %sign3A_257 = arith.extui %sign3A_256 : i1 to i32
    %sign3A_258 = arith.constant 0 : i32
    %sign3A_259 = arith.cmpi slt, %min3A_252, %sign3A_258 : i32
    %sign3A_260 = arith.extui %sign3A_259 : i1 to i32
    %sign3A_261 = arith.subi %sign3A_257, %sign3A_260 : i32
    %sign3A_262 = arith.constant 0 : i32
    %sign3A_263 = arith.cmpi sgt, %jit3A_253, %sign3A_262 : i32
    %sign3A_264 = arith.extui %sign3A_263 : i1 to i32
    %sign3A_265 = arith.constant 0 : i32
    %sign3A_266 = arith.cmpi slt, %jit3A_253, %sign3A_265 : i32
    %sign3A_267 = arith.extui %sign3A_266 : i1 to i32
    %sign3A_268 = arith.subi %sign3A_264, %sign3A_267 : i32
    %ne3A_269 = arith.cmpi ne, %sign3A_261, %sign3A_268 : i32
    %rem3A_270 = arith.remsi %min3A_252, %jit3A_253 : i32
    %ne3A_271 = arith.constant 0 : i32
    %ne3A_272 = arith.cmpi ne, %rem3A_270, %ne3A_271 : i32
    %and3A_273 = arith.andi %ne3A_269, %ne3A_272 : i1
    %sub3A_274 = arith.constant 1 : i32
    %sub3A_275 = arith.subi %div3A_254, %sub3A_274 : i32
    %select_n3A_276 = arith.select %and3A_273, %sub3A_275, %div3A_254 : i32
    %mul3A_277 = arith.constant 128 : i32
    %mul3A_278 = arith.muli %select_n3A_276, %mul3A_277 : i32
    %multiple_of3A_279 = tpu.assume_multiple %mul3A_278, 128 : i32
    %lt3A_280 = arith.constant 999936 : i32
    %lt3A_281 = arith.cmpi slt, %squeeze3A_250, %lt3A_280 : i32
    %convert_element_type3A_282 = arith.extui %lt3A_281 : i1 to i32
    %cond3A_283 = arith.constant 0 : i32
    %cond3A_284 = arith.cmpi ne, %convert_element_type3A_282, %cond3A_283 : i32
    scf.if %cond3A_284 {
      %dma_start3A = arith.constant 6 : i32
      %dma_start3A_345 = arith.constant 0 : i32
      %dma_start3A_346 = tpu.memref_slice %arg3[%dma_start3A_345, %multiple_of3A_279] : memref<64x1000000xf32, #tpu.memory_space<hbm>> -> memref<64x128xf32, #tpu.memory_space<hbm>>
      %dma_start3A_347 = tpu.memref_slice %arg16[%dma_start3A] : memref<8x!tpu.dma_semaphore, #tpu.memory_space<semaphore_mem>> -> memref<1x!tpu.dma_semaphore, #tpu.memory_space<semaphore_mem>>
      %dma_start3A_348 = tpu.memref_squeeze %dma_start3A_347 : memref<1x!tpu.dma_semaphore, #tpu.memory_space<semaphore_mem>> -> memref<!tpu.dma_semaphore, #tpu.memory_space<semaphore_mem>>
      %dma_start3A_349 = arith.constant 0 : i32
      %dma_start3A_350 = tpu.memref_slice %arg3[%dma_start3A_349, %multiple_of3A_279] : memref<64x1000000xf32, #tpu.memory_space<hbm>> -> memref<64x128xf32, #tpu.memory_space<hbm>>
      tpu.enqueue_dma source(%dma_start3A_350 : memref<64x128xf32, #tpu.memory_space<hbm>>) target(%arg13 : memref<64x128xf32, #tpu.memory_space<vmem>>) target_semaphore(%dma_start3A_348 : memref<!tpu.dma_semaphore, #tpu.memory_space<semaphore_mem>>)
    } else {
    }
    %ge3A_285 = arith.constant 999936 : i32
    %ge3A_286 = arith.cmpi sge, %squeeze3A_250, %ge3A_285 : i32
    %convert_element_type3A_287 = arith.extui %ge3A_286 : i1 to i32
    %cond3A_288 = arith.constant 0 : i32
    %cond3A_289 = arith.cmpi ne, %convert_element_type3A_287, %cond3A_288 : i32
    scf.if %cond3A_289 {
      %dma_start3A = arith.constant 6 : i32
      %dma_start3A_345 = tpu.memref_slice %arg16[%dma_start3A] : memref<8x!tpu.dma_semaphore, #tpu.memory_space<semaphore_mem>> -> memref<1x!tpu.dma_semaphore, #tpu.memory_space<semaphore_mem>>
      %dma_start3A_346 = tpu.memref_squeeze %dma_start3A_345 : memref<1x!tpu.dma_semaphore, #tpu.memory_space<semaphore_mem>> -> memref<!tpu.dma_semaphore, #tpu.memory_space<semaphore_mem>>
      tpu.enqueue_dma source(%arg4 : memref<64x128xf32, #tpu.memory_space<hbm>>) target(%arg13 : memref<64x128xf32, #tpu.memory_space<vmem>>) target_semaphore(%dma_start3A_346 : memref<!tpu.dma_semaphore, #tpu.memory_space<semaphore_mem>>)
    } else {
    }
    %slice3A_290 = vector.extract_strided_slice %get3A_18 {offsets = [7], sizes = [1], strides = [1]} : vector<16xi32> to vector<1xi32>
    %squeeze3A_291 = vector.extract %slice3A_290[0] : i32 from vector<1xi32>
    %min3A_292 = arith.constant 999935 : i32
    %min3A_293 = arith.minsi %squeeze3A_291, %min3A_292 : i32
    %jit3A_294 = arith.constant 128 : i32
    %div3A_295 = arith.divsi %min3A_293, %jit3A_294 : i32
    %sign3A_296 = arith.constant 0 : i32
    %sign3A_297 = arith.cmpi sgt, %min3A_293, %sign3A_296 : i32
    %sign3A_298 = arith.extui %sign3A_297 : i1 to i32
    %sign3A_299 = arith.constant 0 : i32
    %sign3A_300 = arith.cmpi slt, %min3A_293, %sign3A_299 : i32
    %sign3A_301 = arith.extui %sign3A_300 : i1 to i32
    %sign3A_302 = arith.subi %sign3A_298, %sign3A_301 : i32
    %sign3A_303 = arith.constant 0 : i32
    %sign3A_304 = arith.cmpi sgt, %jit3A_294, %sign3A_303 : i32
    %sign3A_305 = arith.extui %sign3A_304 : i1 to i32
    %sign3A_306 = arith.constant 0 : i32
    %sign3A_307 = arith.cmpi slt, %jit3A_294, %sign3A_306 : i32
    %sign3A_308 = arith.extui %sign3A_307 : i1 to i32
    %sign3A_309 = arith.subi %sign3A_305, %sign3A_308 : i32
    %ne3A_310 = arith.cmpi ne, %sign3A_302, %sign3A_309 : i32
    %rem3A_311 = arith.remsi %min3A_293, %jit3A_294 : i32
    %ne3A_312 = arith.constant 0 : i32
    %ne3A_313 = arith.cmpi ne, %rem3A_311, %ne3A_312 : i32
    %and3A_314 = arith.andi %ne3A_310, %ne3A_313 : i1
    %sub3A_315 = arith.constant 1 : i32
    %sub3A_316 = arith.subi %div3A_295, %sub3A_315 : i32
    %select_n3A_317 = arith.select %and3A_314, %sub3A_316, %div3A_295 : i32
    %mul3A_318 = arith.constant 128 : i32
    %mul3A_319 = arith.muli %select_n3A_317, %mul3A_318 : i32
    %multiple_of3A_320 = tpu.assume_multiple %mul3A_319, 128 : i32
    %lt3A_321 = arith.constant 999936 : i32
    %lt3A_322 = arith.cmpi slt, %squeeze3A_291, %lt3A_321 : i32
    %convert_element_type3A_323 = arith.extui %lt3A_322 : i1 to i32
    %cond3A_324 = arith.constant 0 : i32
    %cond3A_325 = arith.cmpi ne, %convert_element_type3A_323, %cond3A_324 : i32
    scf.if %cond3A_325 {
      %dma_start3A = arith.constant 7 : i32
      %dma_start3A_345 = arith.constant 0 : i32
      %dma_start3A_346 = tpu.memref_slice %arg3[%dma_start3A_345, %multiple_of3A_320] : memref<64x1000000xf32, #tpu.memory_space<hbm>> -> memref<64x128xf32, #tpu.memory_space<hbm>>
      %dma_start3A_347 = tpu.memref_slice %arg16[%dma_start3A] : memref<8x!tpu.dma_semaphore, #tpu.memory_space<semaphore_mem>> -> memref<1x!tpu.dma_semaphore, #tpu.memory_space<semaphore_mem>>
      %dma_start3A_348 = tpu.memref_squeeze %dma_start3A_347 : memref<1x!tpu.dma_semaphore, #tpu.memory_space<semaphore_mem>> -> memref<!tpu.dma_semaphore, #tpu.memory_space<semaphore_mem>>
      %dma_start3A_349 = arith.constant 0 : i32
      %dma_start3A_350 = tpu.memref_slice %arg3[%dma_start3A_349, %multiple_of3A_320] : memref<64x1000000xf32, #tpu.memory_space<hbm>> -> memref<64x128xf32, #tpu.memory_space<hbm>>
      tpu.enqueue_dma source(%dma_start3A_350 : memref<64x128xf32, #tpu.memory_space<hbm>>) target(%arg14 : memref<64x128xf32, #tpu.memory_space<vmem>>) target_semaphore(%dma_start3A_348 : memref<!tpu.dma_semaphore, #tpu.memory_space<semaphore_mem>>)
    } else {
    }
    %ge3A_326 = arith.constant 999936 : i32
    %ge3A_327 = arith.cmpi sge, %squeeze3A_291, %ge3A_326 : i32
    %convert_element_type3A_328 = arith.extui %ge3A_327 : i1 to i32
    %cond3A_329 = arith.constant 0 : i32
    %cond3A_330 = arith.cmpi ne, %convert_element_type3A_328, %cond3A_329 : i32
    scf.if %cond3A_330 {
      %dma_start3A = arith.constant 7 : i32
      %dma_start3A_345 = tpu.memref_slice %arg16[%dma_start3A] : memref<8x!tpu.dma_semaphore, #tpu.memory_space<semaphore_mem>> -> memref<1x!tpu.dma_semaphore, #tpu.memory_space<semaphore_mem>>
      %dma_start3A_346 = tpu.memref_squeeze %dma_start3A_345 : memref<1x!tpu.dma_semaphore, #tpu.memory_space<semaphore_mem>> -> memref<!tpu.dma_semaphore, #tpu.memory_space<semaphore_mem>>
      tpu.enqueue_dma source(%arg4 : memref<64x128xf32, #tpu.memory_space<hbm>>) target(%arg14 : memref<64x128xf32, #tpu.memory_space<vmem>>) target_semaphore(%dma_start3A_346 : memref<!tpu.dma_semaphore, #tpu.memory_space<semaphore_mem>>)
    } else {
    }
    %scan3A = arith.constant 0 : i32
    %scan3A_331 = arith.constant 64 : i32
    %scan3A_332 = arith.addi %scan3A, %scan3A_331 : i32
    %scan3A_333 = arith.constant 1 : i32
    scf.for %scan3A_345 = %scan3A to %scan3A_332 step %scan3A_333  : i32 {
      %mul3A_346 = arith.constant 1 : i32
      %mul3A_347 = arith.muli %scan3A_345, %mul3A_346 : i32
      %add3A_348 = arith.constant 0 : i32
      %add3A_349 = arith.addi %add3A_348, %mul3A_347 : i32
      %mul3A_350 = arith.constant 8 : i32
      %mul3A_351 = arith.muli %add3A_349, %mul3A_350 : i32
      %get3A_352 = arith.index_cast %mul3A_351 : i32 to index
      %get3A_353 = tpu.vector_load %arg6[%get3A_352] {strides = array<i32>} : memref<528xi32, #tpu.memory_space<vmem>>, vector<16xi32>,
      %mul3A_354 = arith.constant 8 : i32
      %mul3A_355 = arith.muli %add3A_349, %mul3A_354 : i32
      %add3A_356 = arith.constant 8 : i32
      %add3A_357 = arith.addi %mul3A_355, %add3A_356 : i32
      %get3A_358 = arith.index_cast %add3A_357 : i32 to index
      %get3A_359 = tpu.vector_load %arg6[%get3A_358] {strides = array<i32>} : memref<528xi32, #tpu.memory_space<vmem>>, vector<16xi32>,
      %ge3A_360 = arith.constant 999936 : i32
      %ge3A_361 = vector.broadcast %ge3A_360 : i32 to vector<16xi32>
      %ge3A_362 = arith.cmpi sge, %get3A_353, %ge3A_361 : vector<16xi32>
      %sub3A_363 = arith.constant 999872 : i32
      %sub3A_364 = vector.broadcast %sub3A_363 : i32 to vector<16xi32>
      %sub3A_365 = arith.subi %get3A_353, %sub3A_364 : vector<16xi32>
      %jit3A_366 = arith.constant 128 : i32
      %eq3A = arith.constant 0 : i32
      %eq3A_367 = arith.cmpi eq, %jit3A_366, %eq3A : i32
      %jit3A_368 = arith.constant 1 : i32
      %select_n3A_369 = arith.select %eq3A_367, %jit3A_368, %jit3A_366 : i32
      %rem3A_370 = vector.broadcast %select_n3A_369 : i32 to vector<16xi32>
      %rem3A_371 = arith.remsi %get3A_353, %rem3A_370 : vector<16xi32>
      %ne3A_372 = arith.constant 0 : i32
      %ne3A_373 = vector.broadcast %ne3A_372 : i32 to vector<16xi32>
      %ne3A_374 = arith.cmpi ne, %rem3A_371, %ne3A_373 : vector<16xi32>
      %lt3A_375 = arith.constant 0 : i32
      %lt3A_376 = vector.broadcast %lt3A_375 : i32 to vector<16xi32>
      %lt3A_377 = arith.cmpi slt, %rem3A_371, %lt3A_376 : vector<16xi32>
      %lt3A_378 = arith.constant 0 : i32
      %lt3A_379 = arith.cmpi slt, %select_n3A_369, %lt3A_378 : i32
      %ne3A_380 = vector.broadcast %lt3A_379 : i1 to vector<16xi1>
      %ne3A_381 = vector.broadcast %ne3A_380 : vector<16xi1> to vector<16xi1>
      %ne3A_382 = arith.xori %lt3A_377, %ne3A_381 : vector<16xi1>
      %and3A_383 = arith.andi %ne3A_382, %ne3A_374 : vector<16xi1>
      %add3A_384 = vector.broadcast %select_n3A_369 : i32 to vector<16xi32>
      %add3A_385 = arith.addi %rem3A_371, %add3A_384 : vector<16xi32>
      %select_n3A_386 = arith.select %and3A_383, %add3A_385, %rem3A_371 : vector<16xi1>, vector<16xi32>
      %select_n3A_387 = arith.select %ge3A_362, %sub3A_365, %select_n3A_386 : vector<16xi1>, vector<16xi32>
      %slice3A_388 = vector.extract_strided_slice %select_n3A_387 {offsets = [0], sizes = [1], strides = [1]} : vector<16xi32> to vector<1xi32>
      %squeeze3A_389 = vector.extract %slice3A_388[0] : i32 from vector<1xi32>
      %broadcast_in_dim3A = vector.broadcast %squeeze3A_389 : i32 to vector<16xi32>
      %mul3A_390 = arith.constant 8 : i32
      %mul3A_391 = arith.muli %add3A_349, %mul3A_390 : i32
      %add3A_392 = arith.constant 0 : i32
      %add3A_393 = arith.addi %mul3A_391, %add3A_392 : i32
      %broadcast_in_dim3A_394 = vector.broadcast %add3A_393 : i32 to vector<16xi32>
      %dma_wait3A = arith.constant 0 : i32
      %dma_wait3A_395 = arith.constant 0 : i32
      %dma_wait3A_396 = arith.constant 0 : i32
      %dma_wait3A_397 = tpu.memref_slice %arg3[%dma_wait3A_395, %dma_wait3A_396] : memref<64x1000000xf32, #tpu.memory_space<hbm>> -> memref<64x128xf32, #tpu.memory_space<hbm>>
      %dma_wait3A_398 = tpu.memref_slice %arg16[%dma_wait3A] : memref<8x!tpu.dma_semaphore, #tpu.memory_space<semaphore_mem>> -> memref<1x!tpu.dma_semaphore, #tpu.memory_space<semaphore_mem>>
      %dma_wait3A_399 = tpu.memref_squeeze %dma_wait3A_398 : memref<1x!tpu.dma_semaphore, #tpu.memory_space<semaphore_mem>> -> memref<!tpu.dma_semaphore, #tpu.memory_space<semaphore_mem>>
      %dma_wait3A_400 = arith.constant 0 : i32
      %dma_wait3A_401 = arith.constant 0 : i32
      %dma_wait3A_402 = tpu.memref_slice %arg3[%dma_wait3A_400, %dma_wait3A_401] : memref<64x1000000xf32, #tpu.memory_space<hbm>> -> memref<64x128xf32, #tpu.memory_space<hbm>>
      tpu.wait_dma2 semaphore(%dma_wait3A_399 : memref<!tpu.dma_semaphore, #tpu.memory_space<semaphore_mem>>) src(%dma_wait3A_402 : memref<64x128xf32, #tpu.memory_space<hbm>>) dst(%arg7 : memref<64x128xf32, #tpu.memory_space<vmem>>)
      %gather3A = tpu.vector_load_idx %arg7[%add3A_5, %broadcast_in_dim3A] : memref<64x128xf32, #tpu.memory_space<vmem>>[vector<16xi32>, vector<16xi32>], vector<16xf32>,
      tpu.vector_store_idx %arg15[%add3A_5, %broadcast_in_dim3A_394], %gather3A : memref<64x512xf32, #tpu.memory_space<vmem>>[vector<16xi32>, vector<16xi32>], vector<16xf32>,
      %gather3A_403 = tpu.vector_load_idx %arg7[%add3A_9, %broadcast_in_dim3A] : memref<64x128xf32, #tpu.memory_space<vmem>>[vector<16xi32>, vector<16xi32>], vector<16xf32>,
      tpu.vector_store_idx %arg15[%add3A_9, %broadcast_in_dim3A_394], %gather3A_403 : memref<64x512xf32, #tpu.memory_space<vmem>>[vector<16xi32>, vector<16xi32>], vector<16xf32>,
      %gather3A_404 = tpu.vector_load_idx %arg7[%add3A_13, %broadcast_in_dim3A] : memref<64x128xf32, #tpu.memory_space<vmem>>[vector<16xi32>, vector<16xi32>], vector<16xf32>,
      tpu.vector_store_idx %arg15[%add3A_13, %broadcast_in_dim3A_394], %gather3A_404 : memref<64x512xf32, #tpu.memory_space<vmem>>[vector<16xi32>, vector<16xi32>], vector<16xf32>,
      %gather3A_405 = tpu.vector_load_idx %arg7[%add3A_17, %broadcast_in_dim3A] : memref<64x128xf32, #tpu.memory_space<vmem>>[vector<16xi32>, vector<16xi32>], vector<16xf32>,
      tpu.vector_store_idx %arg15[%add3A_17, %broadcast_in_dim3A_394], %gather3A_405 : memref<64x512xf32, #tpu.memory_space<vmem>>[vector<16xi32>, vector<16xi32>], vector<16xf32>,
      %bitcast3A_406 = vector.bitcast %gather3A_405 : vector<16xf32> to vector<16xi32>
      %slice3A_407 = vector.extract_strided_slice %bitcast3A_406 {offsets = [0], sizes = [1], strides = [1]} : vector<16xi32> to vector<1xi32>
      %squeeze3A_408 = vector.extract %slice3A_407[0] : i32 from vector<1xi32>
      %and3A_409 = arith.constant 0 : i32
      %and3A_410 = arith.andi %squeeze3A_408, %and3A_409 : i32
      %lt3A_411 = arith.constant 63 : i32
      %lt3A_412 = arith.cmpi slt, %add3A_349, %lt3A_411 : i32
      %convert_element_type3A_413 = arith.extui %lt3A_412 : i1 to i32
      %cond3A_414 = arith.constant 0 : i32
      %cond3A_415 = arith.cmpi ne, %convert_element_type3A_413, %cond3A_414 : i32
      scf.if %cond3A_415 {
        %slice3A_633 = vector.extract_strided_slice %get3A_359 {offsets = [0], sizes = [1], strides = [1]} : vector<16xi32> to vector<1xi32>
        %squeeze3A_634 = vector.extract %slice3A_633[0] : i32 from vector<1xi32>
        %add3A_635 = arith.addi %squeeze3A_634, %and3A_410 : i32
        %min3A_636 = arith.constant 999935 : i32
        %min3A_637 = arith.minsi %add3A_635, %min3A_636 : i32
        %jit3A_638 = arith.constant 128 : i32
        %div3A_639 = arith.divsi %min3A_637, %jit3A_638 : i32
        %sign3A_640 = arith.constant 0 : i32
        %sign3A_641 = arith.cmpi sgt, %min3A_637, %sign3A_640 : i32
        %sign3A_642 = arith.extui %sign3A_641 : i1 to i32
        %sign3A_643 = arith.constant 0 : i32
        %sign3A_644 = arith.cmpi slt, %min3A_637, %sign3A_643 : i32
        %sign3A_645 = arith.extui %sign3A_644 : i1 to i32
        %sign3A_646 = arith.subi %sign3A_642, %sign3A_645 : i32
        %sign3A_647 = arith.constant 0 : i32
        %sign3A_648 = arith.cmpi sgt, %jit3A_638, %sign3A_647 : i32
        %sign3A_649 = arith.extui %sign3A_648 : i1 to i32
        %sign3A_650 = arith.constant 0 : i32
        %sign3A_651 = arith.cmpi slt, %jit3A_638, %sign3A_650 : i32
        %sign3A_652 = arith.extui %sign3A_651 : i1 to i32
        %sign3A_653 = arith.subi %sign3A_649, %sign3A_652 : i32
        %ne3A_654 = arith.cmpi ne, %sign3A_646, %sign3A_653 : i32
        %rem3A_655 = arith.remsi %min3A_637, %jit3A_638 : i32
        %ne3A_656 = arith.constant 0 : i32
        %ne3A_657 = arith.cmpi ne, %rem3A_655, %ne3A_656 : i32
        %and3A_658 = arith.andi %ne3A_654, %ne3A_657 : i1
        %sub3A_659 = arith.constant 1 : i32
        %sub3A_660 = arith.subi %div3A_639, %sub3A_659 : i32
        %select_n3A_661 = arith.select %and3A_658, %sub3A_660, %div3A_639 : i32
        %mul3A_662 = arith.constant 128 : i32
        %mul3A_663 = arith.muli %select_n3A_661, %mul3A_662 : i32
        %multiple_of3A_664 = tpu.assume_multiple %mul3A_663, 128 : i32
        %lt3A_665 = arith.constant 999936 : i32
        %lt3A_666 = arith.cmpi slt, %add3A_635, %lt3A_665 : i32
        %convert_element_type3A_667 = arith.extui %lt3A_666 : i1 to i32
        %cond3A_668 = arith.constant 0 : i32
        %cond3A_669 = arith.cmpi ne, %convert_element_type3A_667, %cond3A_668 : i32
        scf.if %cond3A_669 {
          %dma_start3A = arith.constant 0 : i32
          %dma_start3A_675 = arith.constant 0 : i32
          %dma_start3A_676 = tpu.memref_slice %arg3[%dma_start3A_675, %multiple_of3A_664] : memref<64x1000000xf32, #tpu.memory_space<hbm>> -> memref<64x128xf32, #tpu.memory_space<hbm>>
          %dma_start3A_677 = tpu.memref_slice %arg16[%dma_start3A] : memref<8x!tpu.dma_semaphore, #tpu.memory_space<semaphore_mem>> -> memref<1x!tpu.dma_semaphore, #tpu.memory_space<semaphore_mem>>
          %dma_start3A_678 = tpu.memref_squeeze %dma_start3A_677 : memref<1x!tpu.dma_semaphore, #tpu.memory_space<semaphore_mem>> -> memref<!tpu.dma_semaphore, #tpu.memory_space<semaphore_mem>>
          %dma_start3A_679 = arith.constant 0 : i32
          %dma_start3A_680 = tpu.memref_slice %arg3[%dma_start3A_679, %multiple_of3A_664] : memref<64x1000000xf32, #tpu.memory_space<hbm>> -> memref<64x128xf32, #tpu.memory_space<hbm>>
          tpu.enqueue_dma source(%dma_start3A_680 : memref<64x128xf32, #tpu.memory_space<hbm>>) target(%arg7 : memref<64x128xf32, #tpu.memory_space<vmem>>) target_semaphore(%dma_start3A_678 : memref<!tpu.dma_semaphore, #tpu.memory_space<semaphore_mem>>)
        } else {
        }
        %ge3A_670 = arith.constant 999936 : i32
        %ge3A_671 = arith.cmpi sge, %add3A_635, %ge3A_670 : i32
        %convert_element_type3A_672 = arith.extui %ge3A_671 : i1 to i32
        %cond3A_673 = arith.constant 0 : i32
        %cond3A_674 = arith.cmpi ne, %convert_element_type3A_672, %cond3A_673 : i32
        scf.if %cond3A_674 {
          %dma_start3A = arith.constant 0 : i32
          %dma_start3A_675 = tpu.memref_slice %arg16[%dma_start3A] : memref<8x!tpu.dma_semaphore, #tpu.memory_space<semaphore_mem>> -> memref<1x!tpu.dma_semaphore, #tpu.memory_space<semaphore_mem>>
          %dma_start3A_676 = tpu.memref_squeeze %dma_start3A_675 : memref<1x!tpu.dma_semaphore, #tpu.memory_space<semaphore_mem>> -> memref<!tpu.dma_semaphore, #tpu.memory_space<semaphore_mem>>
          tpu.enqueue_dma source(%arg4 : memref<64x128xf32, #tpu.memory_space<hbm>>) target(%arg7 : memref<64x128xf32, #tpu.memory_space<vmem>>) target_semaphore(%dma_start3A_676 : memref<!tpu.dma_semaphore, #tpu.memory_space<semaphore_mem>>)
        } else {
        }
      } else {
      }
      %slice3A_416 = vector.extract_strided_slice %select_n3A_387 {offsets = [1], sizes = [1], strides = [1]} : vector<16xi32> to vector<1xi32>
      %squeeze3A_417 = vector.extract %slice3A_416[0] : i32 from vector<1xi32>
      %broadcast_in_dim3A_418 = vector.broadcast %squeeze3A_417 : i32 to vector<16xi32>
      %mul3A_419 = arith.constant 8 : i32
      %mul3A_420 = arith.muli %add3A_349, %mul3A_419 : i32
      %add3A_421 = arith.constant 1 : i32
      %add3A_422 = arith.addi %mul3A_420, %add3A_421 : i32
      %broadcast_in_dim3A_423 = vector.broadcast %add3A_422 : i32 to vector<16xi32>
      %dma_wait3A_424 = arith.constant 1 : i32
      %dma_wait3A_425 = arith.constant 0 : i32
      %dma_wait3A_426 = arith.constant 0 : i32
      %dma_wait3A_427 = tpu.memref_slice %arg3[%dma_wait3A_425, %dma_wait3A_426] : memref<64x1000000xf32, #tpu.memory_space<hbm>> -> memref<64x128xf32, #tpu.memory_space<hbm>>
      %dma_wait3A_428 = tpu.memref_slice %arg16[%dma_wait3A_424] : memref<8x!tpu.dma_semaphore, #tpu.memory_space<semaphore_mem>> -> memref<1x!tpu.dma_semaphore, #tpu.memory_space<semaphore_mem>>
      %dma_wait3A_429 = tpu.memref_squeeze %dma_wait3A_428 : memref<1x!tpu.dma_semaphore, #tpu.memory_space<semaphore_mem>> -> memref<!tpu.dma_semaphore, #tpu.memory_space<semaphore_mem>>
      %dma_wait3A_430 = arith.constant 0 : i32
      %dma_wait3A_431 = arith.constant 0 : i32
      %dma_wait3A_432 = tpu.memref_slice %arg3[%dma_wait3A_430, %dma_wait3A_431] : memref<64x1000000xf32, #tpu.memory_space<hbm>> -> memref<64x128xf32, #tpu.memory_space<hbm>>
      tpu.wait_dma2 semaphore(%dma_wait3A_429 : memref<!tpu.dma_semaphore, #tpu.memory_space<semaphore_mem>>) src(%dma_wait3A_432 : memref<64x128xf32, #tpu.memory_space<hbm>>) dst(%arg8 : memref<64x128xf32, #tpu.memory_space<vmem>>)
      %gather3A_433 = tpu.vector_load_idx %arg8[%add3A_5, %broadcast_in_dim3A_418] : memref<64x128xf32, #tpu.memory_space<vmem>>[vector<16xi32>, vector<16xi32>], vector<16xf32>,
      tpu.vector_store_idx %arg15[%add3A_5, %broadcast_in_dim3A_423], %gather3A_433 : memref<64x512xf32, #tpu.memory_space<vmem>>[vector<16xi32>, vector<16xi32>], vector<16xf32>,
      %gather3A_434 = tpu.vector_load_idx %arg8[%add3A_9, %broadcast_in_dim3A_418] : memref<64x128xf32, #tpu.memory_space<vmem>>[vector<16xi32>, vector<16xi32>], vector<16xf32>,
      tpu.vector_store_idx %arg15[%add3A_9, %broadcast_in_dim3A_423], %gather3A_434 : memref<64x512xf32, #tpu.memory_space<vmem>>[vector<16xi32>, vector<16xi32>], vector<16xf32>,
      %gather3A_435 = tpu.vector_load_idx %arg8[%add3A_13, %broadcast_in_dim3A_418] : memref<64x128xf32, #tpu.memory_space<vmem>>[vector<16xi32>, vector<16xi32>], vector<16xf32>,
      tpu.vector_store_idx %arg15[%add3A_13, %broadcast_in_dim3A_423], %gather3A_435 : memref<64x512xf32, #tpu.memory_space<vmem>>[vector<16xi32>, vector<16xi32>], vector<16xf32>,
      %gather3A_436 = tpu.vector_load_idx %arg8[%add3A_17, %broadcast_in_dim3A_418] : memref<64x128xf32, #tpu.memory_space<vmem>>[vector<16xi32>, vector<16xi32>], vector<16xf32>,
      tpu.vector_store_idx %arg15[%add3A_17, %broadcast_in_dim3A_423], %gather3A_436 : memref<64x512xf32, #tpu.memory_space<vmem>>[vector<16xi32>, vector<16xi32>], vector<16xf32>,
      %bitcast3A_437 = vector.bitcast %gather3A_436 : vector<16xf32> to vector<16xi32>
      %slice3A_438 = vector.extract_strided_slice %bitcast3A_437 {offsets = [0], sizes = [1], strides = [1]} : vector<16xi32> to vector<1xi32>
      %squeeze3A_439 = vector.extract %slice3A_438[0] : i32 from vector<1xi32>
      %and3A_440 = arith.constant 0 : i32
      %and3A_441 = arith.andi %squeeze3A_439, %and3A_440 : i32
      %lt3A_442 = arith.constant 63 : i32
      %lt3A_443 = arith.cmpi slt, %add3A_349, %lt3A_442 : i32
      %convert_element_type3A_444 = arith.extui %lt3A_443 : i1 to i32
      %cond3A_445 = arith.constant 0 : i32
      %cond3A_446 = arith.cmpi ne, %convert_element_type3A_444, %cond3A_445 : i32
      scf.if %cond3A_446 {
        %slice3A_633 = vector.extract_strided_slice %get3A_359 {offsets = [1], sizes = [1], strides = [1]} : vector<16xi32> to vector<1xi32>
        %squeeze3A_634 = vector.extract %slice3A_633[0] : i32 from vector<1xi32>
        %add3A_635 = arith.addi %squeeze3A_634, %and3A_441 : i32
        %min3A_636 = arith.constant 999935 : i32
        %min3A_637 = arith.minsi %add3A_635, %min3A_636 : i32
        %jit3A_638 = arith.constant 128 : i32
        %div3A_639 = arith.divsi %min3A_637, %jit3A_638 : i32
        %sign3A_640 = arith.constant 0 : i32
        %sign3A_641 = arith.cmpi sgt, %min3A_637, %sign3A_640 : i32
        %sign3A_642 = arith.extui %sign3A_641 : i1 to i32
        %sign3A_643 = arith.constant 0 : i32
        %sign3A_644 = arith.cmpi slt, %min3A_637, %sign3A_643 : i32
        %sign3A_645 = arith.extui %sign3A_644 : i1 to i32
        %sign3A_646 = arith.subi %sign3A_642, %sign3A_645 : i32
        %sign3A_647 = arith.constant 0 : i32
        %sign3A_648 = arith.cmpi sgt, %jit3A_638, %sign3A_647 : i32
        %sign3A_649 = arith.extui %sign3A_648 : i1 to i32
        %sign3A_650 = arith.constant 0 : i32
        %sign3A_651 = arith.cmpi slt, %jit3A_638, %sign3A_650 : i32
        %sign3A_652 = arith.extui %sign3A_651 : i1 to i32
        %sign3A_653 = arith.subi %sign3A_649, %sign3A_652 : i32
        %ne3A_654 = arith.cmpi ne, %sign3A_646, %sign3A_653 : i32
        %rem3A_655 = arith.remsi %min3A_637, %jit3A_638 : i32
        %ne3A_656 = arith.constant 0 : i32
        %ne3A_657 = arith.cmpi ne, %rem3A_655, %ne3A_656 : i32
        %and3A_658 = arith.andi %ne3A_654, %ne3A_657 : i1
        %sub3A_659 = arith.constant 1 : i32
        %sub3A_660 = arith.subi %div3A_639, %sub3A_659 : i32
        %select_n3A_661 = arith.select %and3A_658, %sub3A_660, %div3A_639 : i32
        %mul3A_662 = arith.constant 128 : i32
        %mul3A_663 = arith.muli %select_n3A_661, %mul3A_662 : i32
        %multiple_of3A_664 = tpu.assume_multiple %mul3A_663, 128 : i32
        %lt3A_665 = arith.constant 999936 : i32
        %lt3A_666 = arith.cmpi slt, %add3A_635, %lt3A_665 : i32
        %convert_element_type3A_667 = arith.extui %lt3A_666 : i1 to i32
        %cond3A_668 = arith.constant 0 : i32
        %cond3A_669 = arith.cmpi ne, %convert_element_type3A_667, %cond3A_668 : i32
        scf.if %cond3A_669 {
          %dma_start3A = arith.constant 1 : i32
          %dma_start3A_675 = arith.constant 0 : i32
          %dma_start3A_676 = tpu.memref_slice %arg3[%dma_start3A_675, %multiple_of3A_664] : memref<64x1000000xf32, #tpu.memory_space<hbm>> -> memref<64x128xf32, #tpu.memory_space<hbm>>
          %dma_start3A_677 = tpu.memref_slice %arg16[%dma_start3A] : memref<8x!tpu.dma_semaphore, #tpu.memory_space<semaphore_mem>> -> memref<1x!tpu.dma_semaphore, #tpu.memory_space<semaphore_mem>>
          %dma_start3A_678 = tpu.memref_squeeze %dma_start3A_677 : memref<1x!tpu.dma_semaphore, #tpu.memory_space<semaphore_mem>> -> memref<!tpu.dma_semaphore, #tpu.memory_space<semaphore_mem>>
          %dma_start3A_679 = arith.constant 0 : i32
          %dma_start3A_680 = tpu.memref_slice %arg3[%dma_start3A_679, %multiple_of3A_664] : memref<64x1000000xf32, #tpu.memory_space<hbm>> -> memref<64x128xf32, #tpu.memory_space<hbm>>
          tpu.enqueue_dma source(%dma_start3A_680 : memref<64x128xf32, #tpu.memory_space<hbm>>) target(%arg8 : memref<64x128xf32, #tpu.memory_space<vmem>>) target_semaphore(%dma_start3A_678 : memref<!tpu.dma_semaphore, #tpu.memory_space<semaphore_mem>>)
        } else {
        }
        %ge3A_670 = arith.constant 999936 : i32
        %ge3A_671 = arith.cmpi sge, %add3A_635, %ge3A_670 : i32
        %convert_element_type3A_672 = arith.extui %ge3A_671 : i1 to i32
        %cond3A_673 = arith.constant 0 : i32
        %cond3A_674 = arith.cmpi ne, %convert_element_type3A_672, %cond3A_673 : i32
        scf.if %cond3A_674 {
          %dma_start3A = arith.constant 1 : i32
          %dma_start3A_675 = tpu.memref_slice %arg16[%dma_start3A] : memref<8x!tpu.dma_semaphore, #tpu.memory_space<semaphore_mem>> -> memref<1x!tpu.dma_semaphore, #tpu.memory_space<semaphore_mem>>
          %dma_start3A_676 = tpu.memref_squeeze %dma_start3A_675 : memref<1x!tpu.dma_semaphore, #tpu.memory_space<semaphore_mem>> -> memref<!tpu.dma_semaphore, #tpu.memory_space<semaphore_mem>>
          tpu.enqueue_dma source(%arg4 : memref<64x128xf32, #tpu.memory_space<hbm>>) target(%arg8 : memref<64x128xf32, #tpu.memory_space<vmem>>) target_semaphore(%dma_start3A_676 : memref<!tpu.dma_semaphore, #tpu.memory_space<semaphore_mem>>)
        } else {
        }
      } else {
      }
      %slice3A_447 = vector.extract_strided_slice %select_n3A_387 {offsets = [2], sizes = [1], strides = [1]} : vector<16xi32> to vector<1xi32>
      %squeeze3A_448 = vector.extract %slice3A_447[0] : i32 from vector<1xi32>
      %broadcast_in_dim3A_449 = vector.broadcast %squeeze3A_448 : i32 to vector<16xi32>
      %mul3A_450 = arith.constant 8 : i32
      %mul3A_451 = arith.muli %add3A_349, %mul3A_450 : i32
      %add3A_452 = arith.constant 2 : i32
      %add3A_453 = arith.addi %mul3A_451, %add3A_452 : i32
      %broadcast_in_dim3A_454 = vector.broadcast %add3A_453 : i32 to vector<16xi32>
      %dma_wait3A_455 = arith.constant 2 : i32
      %dma_wait3A_456 = arith.constant 0 : i32
      %dma_wait3A_457 = arith.constant 0 : i32
      %dma_wait3A_458 = tpu.memref_slice %arg3[%dma_wait3A_456, %dma_wait3A_457] : memref<64x1000000xf32, #tpu.memory_space<hbm>> -> memref<64x128xf32, #tpu.memory_space<hbm>>
      %dma_wait3A_459 = tpu.memref_slice %arg16[%dma_wait3A_455] : memref<8x!tpu.dma_semaphore, #tpu.memory_space<semaphore_mem>> -> memref<1x!tpu.dma_semaphore, #tpu.memory_space<semaphore_mem>>
      %dma_wait3A_460 = tpu.memref_squeeze %dma_wait3A_459 : memref<1x!tpu.dma_semaphore, #tpu.memory_space<semaphore_mem>> -> memref<!tpu.dma_semaphore, #tpu.memory_space<semaphore_mem>>
      %dma_wait3A_461 = arith.constant 0 : i32
      %dma_wait3A_462 = arith.constant 0 : i32
      %dma_wait3A_463 = tpu.memref_slice %arg3[%dma_wait3A_461, %dma_wait3A_462] : memref<64x1000000xf32, #tpu.memory_space<hbm>> -> memref<64x128xf32, #tpu.memory_space<hbm>>
      tpu.wait_dma2 semaphore(%dma_wait3A_460 : memref<!tpu.dma_semaphore, #tpu.memory_space<semaphore_mem>>) src(%dma_wait3A_463 : memref<64x128xf32, #tpu.memory_space<hbm>>) dst(%arg9 : memref<64x128xf32, #tpu.memory_space<vmem>>)
      %gather3A_464 = tpu.vector_load_idx %arg9[%add3A_5, %broadcast_in_dim3A_449] : memref<64x128xf32, #tpu.memory_space<vmem>>[vector<16xi32>, vector<16xi32>], vector<16xf32>,
      tpu.vector_store_idx %arg15[%add3A_5, %broadcast_in_dim3A_454], %gather3A_464 : memref<64x512xf32, #tpu.memory_space<vmem>>[vector<16xi32>, vector<16xi32>], vector<16xf32>,
      %gather3A_465 = tpu.vector_load_idx %arg9[%add3A_9, %broadcast_in_dim3A_449] : memref<64x128xf32, #tpu.memory_space<vmem>>[vector<16xi32>, vector<16xi32>], vector<16xf32>,
      tpu.vector_store_idx %arg15[%add3A_9, %broadcast_in_dim3A_454], %gather3A_465 : memref<64x512xf32, #tpu.memory_space<vmem>>[vector<16xi32>, vector<16xi32>], vector<16xf32>,
      %gather3A_466 = tpu.vector_load_idx %arg9[%add3A_13, %broadcast_in_dim3A_449] : memref<64x128xf32, #tpu.memory_space<vmem>>[vector<16xi32>, vector<16xi32>], vector<16xf32>,
      tpu.vector_store_idx %arg15[%add3A_13, %broadcast_in_dim3A_454], %gather3A_466 : memref<64x512xf32, #tpu.memory_space<vmem>>[vector<16xi32>, vector<16xi32>], vector<16xf32>,
      %gather3A_467 = tpu.vector_load_idx %arg9[%add3A_17, %broadcast_in_dim3A_449] : memref<64x128xf32, #tpu.memory_space<vmem>>[vector<16xi32>, vector<16xi32>], vector<16xf32>,
      tpu.vector_store_idx %arg15[%add3A_17, %broadcast_in_dim3A_454], %gather3A_467 : memref<64x512xf32, #tpu.memory_space<vmem>>[vector<16xi32>, vector<16xi32>], vector<16xf32>,
      %bitcast3A_468 = vector.bitcast %gather3A_467 : vector<16xf32> to vector<16xi32>
      %slice3A_469 = vector.extract_strided_slice %bitcast3A_468 {offsets = [0], sizes = [1], strides = [1]} : vector<16xi32> to vector<1xi32>
      %squeeze3A_470 = vector.extract %slice3A_469[0] : i32 from vector<1xi32>
      %and3A_471 = arith.constant 0 : i32
      %and3A_472 = arith.andi %squeeze3A_470, %and3A_471 : i32
      %lt3A_473 = arith.constant 63 : i32
      %lt3A_474 = arith.cmpi slt, %add3A_349, %lt3A_473 : i32
      %convert_element_type3A_475 = arith.extui %lt3A_474 : i1 to i32
      %cond3A_476 = arith.constant 0 : i32
      %cond3A_477 = arith.cmpi ne, %convert_element_type3A_475, %cond3A_476 : i32
      scf.if %cond3A_477 {
        %slice3A_633 = vector.extract_strided_slice %get3A_359 {offsets = [2], sizes = [1], strides = [1]} : vector<16xi32> to vector<1xi32>
        %squeeze3A_634 = vector.extract %slice3A_633[0] : i32 from vector<1xi32>
        %add3A_635 = arith.addi %squeeze3A_634, %and3A_472 : i32
        %min3A_636 = arith.constant 999935 : i32
        %min3A_637 = arith.minsi %add3A_635, %min3A_636 : i32
        %jit3A_638 = arith.constant 128 : i32
        %div3A_639 = arith.divsi %min3A_637, %jit3A_638 : i32
        %sign3A_640 = arith.constant 0 : i32
        %sign3A_641 = arith.cmpi sgt, %min3A_637, %sign3A_640 : i32
        %sign3A_642 = arith.extui %sign3A_641 : i1 to i32
        %sign3A_643 = arith.constant 0 : i32
        %sign3A_644 = arith.cmpi slt, %min3A_637, %sign3A_643 : i32
        %sign3A_645 = arith.extui %sign3A_644 : i1 to i32
        %sign3A_646 = arith.subi %sign3A_642, %sign3A_645 : i32
        %sign3A_647 = arith.constant 0 : i32
        %sign3A_648 = arith.cmpi sgt, %jit3A_638, %sign3A_647 : i32
        %sign3A_649 = arith.extui %sign3A_648 : i1 to i32
        %sign3A_650 = arith.constant 0 : i32
        %sign3A_651 = arith.cmpi slt, %jit3A_638, %sign3A_650 : i32
        %sign3A_652 = arith.extui %sign3A_651 : i1 to i32
        %sign3A_653 = arith.subi %sign3A_649, %sign3A_652 : i32
        %ne3A_654 = arith.cmpi ne, %sign3A_646, %sign3A_653 : i32
        %rem3A_655 = arith.remsi %min3A_637, %jit3A_638 : i32
        %ne3A_656 = arith.constant 0 : i32
        %ne3A_657 = arith.cmpi ne, %rem3A_655, %ne3A_656 : i32
        %and3A_658 = arith.andi %ne3A_654, %ne3A_657 : i1
        %sub3A_659 = arith.constant 1 : i32
        %sub3A_660 = arith.subi %div3A_639, %sub3A_659 : i32
        %select_n3A_661 = arith.select %and3A_658, %sub3A_660, %div3A_639 : i32
        %mul3A_662 = arith.constant 128 : i32
        %mul3A_663 = arith.muli %select_n3A_661, %mul3A_662 : i32
        %multiple_of3A_664 = tpu.assume_multiple %mul3A_663, 128 : i32
        %lt3A_665 = arith.constant 999936 : i32
        %lt3A_666 = arith.cmpi slt, %add3A_635, %lt3A_665 : i32
        %convert_element_type3A_667 = arith.extui %lt3A_666 : i1 to i32
        %cond3A_668 = arith.constant 0 : i32
        %cond3A_669 = arith.cmpi ne, %convert_element_type3A_667, %cond3A_668 : i32
        scf.if %cond3A_669 {
          %dma_start3A = arith.constant 2 : i32
          %dma_start3A_675 = arith.constant 0 : i32
          %dma_start3A_676 = tpu.memref_slice %arg3[%dma_start3A_675, %multiple_of3A_664] : memref<64x1000000xf32, #tpu.memory_space<hbm>> -> memref<64x128xf32, #tpu.memory_space<hbm>>
          %dma_start3A_677 = tpu.memref_slice %arg16[%dma_start3A] : memref<8x!tpu.dma_semaphore, #tpu.memory_space<semaphore_mem>> -> memref<1x!tpu.dma_semaphore, #tpu.memory_space<semaphore_mem>>
          %dma_start3A_678 = tpu.memref_squeeze %dma_start3A_677 : memref<1x!tpu.dma_semaphore, #tpu.memory_space<semaphore_mem>> -> memref<!tpu.dma_semaphore, #tpu.memory_space<semaphore_mem>>
          %dma_start3A_679 = arith.constant 0 : i32
          %dma_start3A_680 = tpu.memref_slice %arg3[%dma_start3A_679, %multiple_of3A_664] : memref<64x1000000xf32, #tpu.memory_space<hbm>> -> memref<64x128xf32, #tpu.memory_space<hbm>>
          tpu.enqueue_dma source(%dma_start3A_680 : memref<64x128xf32, #tpu.memory_space<hbm>>) target(%arg9 : memref<64x128xf32, #tpu.memory_space<vmem>>) target_semaphore(%dma_start3A_678 : memref<!tpu.dma_semaphore, #tpu.memory_space<semaphore_mem>>)
        } else {
        }
        %ge3A_670 = arith.constant 999936 : i32
        %ge3A_671 = arith.cmpi sge, %add3A_635, %ge3A_670 : i32
        %convert_element_type3A_672 = arith.extui %ge3A_671 : i1 to i32
        %cond3A_673 = arith.constant 0 : i32
        %cond3A_674 = arith.cmpi ne, %convert_element_type3A_672, %cond3A_673 : i32
        scf.if %cond3A_674 {
          %dma_start3A = arith.constant 2 : i32
          %dma_start3A_675 = tpu.memref_slice %arg16[%dma_start3A] : memref<8x!tpu.dma_semaphore, #tpu.memory_space<semaphore_mem>> -> memref<1x!tpu.dma_semaphore, #tpu.memory_space<semaphore_mem>>
          %dma_start3A_676 = tpu.memref_squeeze %dma_start3A_675 : memref<1x!tpu.dma_semaphore, #tpu.memory_space<semaphore_mem>> -> memref<!tpu.dma_semaphore, #tpu.memory_space<semaphore_mem>>
          tpu.enqueue_dma source(%arg4 : memref<64x128xf32, #tpu.memory_space<hbm>>) target(%arg9 : memref<64x128xf32, #tpu.memory_space<vmem>>) target_semaphore(%dma_start3A_676 : memref<!tpu.dma_semaphore, #tpu.memory_space<semaphore_mem>>)
        } else {
        }
      } else {
      }
      %slice3A_478 = vector.extract_strided_slice %select_n3A_387 {offsets = [3], sizes = [1], strides = [1]} : vector<16xi32> to vector<1xi32>
      %squeeze3A_479 = vector.extract %slice3A_478[0] : i32 from vector<1xi32>
      %broadcast_in_dim3A_480 = vector.broadcast %squeeze3A_479 : i32 to vector<16xi32>
      %mul3A_481 = arith.constant 8 : i32
      %mul3A_482 = arith.muli %add3A_349, %mul3A_481 : i32
      %add3A_483 = arith.constant 3 : i32
      %add3A_484 = arith.addi %mul3A_482, %add3A_483 : i32
      %broadcast_in_dim3A_485 = vector.broadcast %add3A_484 : i32 to vector<16xi32>
      %dma_wait3A_486 = arith.constant 3 : i32
      %dma_wait3A_487 = arith.constant 0 : i32
      %dma_wait3A_488 = arith.constant 0 : i32
      %dma_wait3A_489 = tpu.memref_slice %arg3[%dma_wait3A_487, %dma_wait3A_488] : memref<64x1000000xf32, #tpu.memory_space<hbm>> -> memref<64x128xf32, #tpu.memory_space<hbm>>
      %dma_wait3A_490 = tpu.memref_slice %arg16[%dma_wait3A_486] : memref<8x!tpu.dma_semaphore, #tpu.memory_space<semaphore_mem>> -> memref<1x!tpu.dma_semaphore, #tpu.memory_space<semaphore_mem>>
      %dma_wait3A_491 = tpu.memref_squeeze %dma_wait3A_490 : memref<1x!tpu.dma_semaphore, #tpu.memory_space<semaphore_mem>> -> memref<!tpu.dma_semaphore, #tpu.memory_space<semaphore_mem>>
      %dma_wait3A_492 = arith.constant 0 : i32
      %dma_wait3A_493 = arith.constant 0 : i32
      %dma_wait3A_494 = tpu.memref_slice %arg3[%dma_wait3A_492, %dma_wait3A_493] : memref<64x1000000xf32, #tpu.memory_space<hbm>> -> memref<64x128xf32, #tpu.memory_space<hbm>>
      tpu.wait_dma2 semaphore(%dma_wait3A_491 : memref<!tpu.dma_semaphore, #tpu.memory_space<semaphore_mem>>) src(%dma_wait3A_494 : memref<64x128xf32, #tpu.memory_space<hbm>>) dst(%arg10 : memref<64x128xf32, #tpu.memory_space<vmem>>)
      %gather3A_495 = tpu.vector_load_idx %arg10[%add3A_5, %broadcast_in_dim3A_480] : memref<64x128xf32, #tpu.memory_space<vmem>>[vector<16xi32>, vector<16xi32>], vector<16xf32>,
      tpu.vector_store_idx %arg15[%add3A_5, %broadcast_in_dim3A_485], %gather3A_495 : memref<64x512xf32, #tpu.memory_space<vmem>>[vector<16xi32>, vector<16xi32>], vector<16xf32>,
      %gather3A_496 = tpu.vector_load_idx %arg10[%add3A_9, %broadcast_in_dim3A_480] : memref<64x128xf32, #tpu.memory_space<vmem>>[vector<16xi32>, vector<16xi32>], vector<16xf32>,
      tpu.vector_store_idx %arg15[%add3A_9, %broadcast_in_dim3A_485], %gather3A_496 : memref<64x512xf32, #tpu.memory_space<vmem>>[vector<16xi32>, vector<16xi32>], vector<16xf32>,
      %gather3A_497 = tpu.vector_load_idx %arg10[%add3A_13, %broadcast_in_dim3A_480] : memref<64x128xf32, #tpu.memory_space<vmem>>[vector<16xi32>, vector<16xi32>], vector<16xf32>,
      tpu.vector_store_idx %arg15[%add3A_13, %broadcast_in_dim3A_485], %gather3A_497 : memref<64x512xf32, #tpu.memory_space<vmem>>[vector<16xi32>, vector<16xi32>], vector<16xf32>,
      %gather3A_498 = tpu.vector_load_idx %arg10[%add3A_17, %broadcast_in_dim3A_480] : memref<64x128xf32, #tpu.memory_space<vmem>>[vector<16xi32>, vector<16xi32>], vector<16xf32>,
      tpu.vector_store_idx %arg15[%add3A_17, %broadcast_in_dim3A_485], %gather3A_498 : memref<64x512xf32, #tpu.memory_space<vmem>>[vector<16xi32>, vector<16xi32>], vector<16xf32>,
      %bitcast3A_499 = vector.bitcast %gather3A_498 : vector<16xf32> to vector<16xi32>
      %slice3A_500 = vector.extract_strided_slice %bitcast3A_499 {offsets = [0], sizes = [1], strides = [1]} : vector<16xi32> to vector<1xi32>
      %squeeze3A_501 = vector.extract %slice3A_500[0] : i32 from vector<1xi32>
      %and3A_502 = arith.constant 0 : i32
      %and3A_503 = arith.andi %squeeze3A_501, %and3A_502 : i32
      %lt3A_504 = arith.constant 63 : i32
      %lt3A_505 = arith.cmpi slt, %add3A_349, %lt3A_504 : i32
      %convert_element_type3A_506 = arith.extui %lt3A_505 : i1 to i32
      %cond3A_507 = arith.constant 0 : i32
      %cond3A_508 = arith.cmpi ne, %convert_element_type3A_506, %cond3A_507 : i32
      scf.if %cond3A_508 {
        %slice3A_633 = vector.extract_strided_slice %get3A_359 {offsets = [3], sizes = [1], strides = [1]} : vector<16xi32> to vector<1xi32>
        %squeeze3A_634 = vector.extract %slice3A_633[0] : i32 from vector<1xi32>
        %add3A_635 = arith.addi %squeeze3A_634, %and3A_503 : i32
        %min3A_636 = arith.constant 999935 : i32
        %min3A_637 = arith.minsi %add3A_635, %min3A_636 : i32
        %jit3A_638 = arith.constant 128 : i32
        %div3A_639 = arith.divsi %min3A_637, %jit3A_638 : i32
        %sign3A_640 = arith.constant 0 : i32
        %sign3A_641 = arith.cmpi sgt, %min3A_637, %sign3A_640 : i32
        %sign3A_642 = arith.extui %sign3A_641 : i1 to i32
        %sign3A_643 = arith.constant 0 : i32
        %sign3A_644 = arith.cmpi slt, %min3A_637, %sign3A_643 : i32
        %sign3A_645 = arith.extui %sign3A_644 : i1 to i32
        %sign3A_646 = arith.subi %sign3A_642, %sign3A_645 : i32
        %sign3A_647 = arith.constant 0 : i32
        %sign3A_648 = arith.cmpi sgt, %jit3A_638, %sign3A_647 : i32
        %sign3A_649 = arith.extui %sign3A_648 : i1 to i32
        %sign3A_650 = arith.constant 0 : i32
        %sign3A_651 = arith.cmpi slt, %jit3A_638, %sign3A_650 : i32
        %sign3A_652 = arith.extui %sign3A_651 : i1 to i32
        %sign3A_653 = arith.subi %sign3A_649, %sign3A_652 : i32
        %ne3A_654 = arith.cmpi ne, %sign3A_646, %sign3A_653 : i32
        %rem3A_655 = arith.remsi %min3A_637, %jit3A_638 : i32
        %ne3A_656 = arith.constant 0 : i32
        %ne3A_657 = arith.cmpi ne, %rem3A_655, %ne3A_656 : i32
        %and3A_658 = arith.andi %ne3A_654, %ne3A_657 : i1
        %sub3A_659 = arith.constant 1 : i32
        %sub3A_660 = arith.subi %div3A_639, %sub3A_659 : i32
        %select_n3A_661 = arith.select %and3A_658, %sub3A_660, %div3A_639 : i32
        %mul3A_662 = arith.constant 128 : i32
        %mul3A_663 = arith.muli %select_n3A_661, %mul3A_662 : i32
        %multiple_of3A_664 = tpu.assume_multiple %mul3A_663, 128 : i32
        %lt3A_665 = arith.constant 999936 : i32
        %lt3A_666 = arith.cmpi slt, %add3A_635, %lt3A_665 : i32
        %convert_element_type3A_667 = arith.extui %lt3A_666 : i1 to i32
        %cond3A_668 = arith.constant 0 : i32
        %cond3A_669 = arith.cmpi ne, %convert_element_type3A_667, %cond3A_668 : i32
        scf.if %cond3A_669 {
          %dma_start3A = arith.constant 3 : i32
          %dma_start3A_675 = arith.constant 0 : i32
          %dma_start3A_676 = tpu.memref_slice %arg3[%dma_start3A_675, %multiple_of3A_664] : memref<64x1000000xf32, #tpu.memory_space<hbm>> -> memref<64x128xf32, #tpu.memory_space<hbm>>
          %dma_start3A_677 = tpu.memref_slice %arg16[%dma_start3A] : memref<8x!tpu.dma_semaphore, #tpu.memory_space<semaphore_mem>> -> memref<1x!tpu.dma_semaphore, #tpu.memory_space<semaphore_mem>>
          %dma_start3A_678 = tpu.memref_squeeze %dma_start3A_677 : memref<1x!tpu.dma_semaphore, #tpu.memory_space<semaphore_mem>> -> memref<!tpu.dma_semaphore, #tpu.memory_space<semaphore_mem>>
          %dma_start3A_679 = arith.constant 0 : i32
          %dma_start3A_680 = tpu.memref_slice %arg3[%dma_start3A_679, %multiple_of3A_664] : memref<64x1000000xf32, #tpu.memory_space<hbm>> -> memref<64x128xf32, #tpu.memory_space<hbm>>
          tpu.enqueue_dma source(%dma_start3A_680 : memref<64x128xf32, #tpu.memory_space<hbm>>) target(%arg10 : memref<64x128xf32, #tpu.memory_space<vmem>>) target_semaphore(%dma_start3A_678 : memref<!tpu.dma_semaphore, #tpu.memory_space<semaphore_mem>>)
        } else {
        }
        %ge3A_670 = arith.constant 999936 : i32
        %ge3A_671 = arith.cmpi sge, %add3A_635, %ge3A_670 : i32
        %convert_element_type3A_672 = arith.extui %ge3A_671 : i1 to i32
        %cond3A_673 = arith.constant 0 : i32
        %cond3A_674 = arith.cmpi ne, %convert_element_type3A_672, %cond3A_673 : i32
        scf.if %cond3A_674 {
          %dma_start3A = arith.constant 3 : i32
          %dma_start3A_675 = tpu.memref_slice %arg16[%dma_start3A] : memref<8x!tpu.dma_semaphore, #tpu.memory_space<semaphore_mem>> -> memref<1x!tpu.dma_semaphore, #tpu.memory_space<semaphore_mem>>
          %dma_start3A_676 = tpu.memref_squeeze %dma_start3A_675 : memref<1x!tpu.dma_semaphore, #tpu.memory_space<semaphore_mem>> -> memref<!tpu.dma_semaphore, #tpu.memory_space<semaphore_mem>>
          tpu.enqueue_dma source(%arg4 : memref<64x128xf32, #tpu.memory_space<hbm>>) target(%arg10 : memref<64x128xf32, #tpu.memory_space<vmem>>) target_semaphore(%dma_start3A_676 : memref<!tpu.dma_semaphore, #tpu.memory_space<semaphore_mem>>)
        } else {
        }
      } else {
      }
      %slice3A_509 = vector.extract_strided_slice %select_n3A_387 {offsets = [4], sizes = [1], strides = [1]} : vector<16xi32> to vector<1xi32>
      %squeeze3A_510 = vector.extract %slice3A_509[0] : i32 from vector<1xi32>
      %broadcast_in_dim3A_511 = vector.broadcast %squeeze3A_510 : i32 to vector<16xi32>
      %mul3A_512 = arith.constant 8 : i32
      %mul3A_513 = arith.muli %add3A_349, %mul3A_512 : i32
      %add3A_514 = arith.constant 4 : i32
      %add3A_515 = arith.addi %mul3A_513, %add3A_514 : i32
      %broadcast_in_dim3A_516 = vector.broadcast %add3A_515 : i32 to vector<16xi32>
      %dma_wait3A_517 = arith.constant 4 : i32
      %dma_wait3A_518 = arith.constant 0 : i32
      %dma_wait3A_519 = arith.constant 0 : i32
      %dma_wait3A_520 = tpu.memref_slice %arg3[%dma_wait3A_518, %dma_wait3A_519] : memref<64x1000000xf32, #tpu.memory_space<hbm>> -> memref<64x128xf32, #tpu.memory_space<hbm>>
      %dma_wait3A_521 = tpu.memref_slice %arg16[%dma_wait3A_517] : memref<8x!tpu.dma_semaphore, #tpu.memory_space<semaphore_mem>> -> memref<1x!tpu.dma_semaphore, #tpu.memory_space<semaphore_mem>>
      %dma_wait3A_522 = tpu.memref_squeeze %dma_wait3A_521 : memref<1x!tpu.dma_semaphore, #tpu.memory_space<semaphore_mem>> -> memref<!tpu.dma_semaphore, #tpu.memory_space<semaphore_mem>>
      %dma_wait3A_523 = arith.constant 0 : i32
      %dma_wait3A_524 = arith.constant 0 : i32
      %dma_wait3A_525 = tpu.memref_slice %arg3[%dma_wait3A_523, %dma_wait3A_524] : memref<64x1000000xf32, #tpu.memory_space<hbm>> -> memref<64x128xf32, #tpu.memory_space<hbm>>
      tpu.wait_dma2 semaphore(%dma_wait3A_522 : memref<!tpu.dma_semaphore, #tpu.memory_space<semaphore_mem>>) src(%dma_wait3A_525 : memref<64x128xf32, #tpu.memory_space<hbm>>) dst(%arg11 : memref<64x128xf32, #tpu.memory_space<vmem>>)
      %gather3A_526 = tpu.vector_load_idx %arg11[%add3A_5, %broadcast_in_dim3A_511] : memref<64x128xf32, #tpu.memory_space<vmem>>[vector<16xi32>, vector<16xi32>], vector<16xf32>,
      tpu.vector_store_idx %arg15[%add3A_5, %broadcast_in_dim3A_516], %gather3A_526 : memref<64x512xf32, #tpu.memory_space<vmem>>[vector<16xi32>, vector<16xi32>], vector<16xf32>,
      %gather3A_527 = tpu.vector_load_idx %arg11[%add3A_9, %broadcast_in_dim3A_511] : memref<64x128xf32, #tpu.memory_space<vmem>>[vector<16xi32>, vector<16xi32>], vector<16xf32>,
      tpu.vector_store_idx %arg15[%add3A_9, %broadcast_in_dim3A_516], %gather3A_527 : memref<64x512xf32, #tpu.memory_space<vmem>>[vector<16xi32>, vector<16xi32>], vector<16xf32>,
      %gather3A_528 = tpu.vector_load_idx %arg11[%add3A_13, %broadcast_in_dim3A_511] : memref<64x128xf32, #tpu.memory_space<vmem>>[vector<16xi32>, vector<16xi32>], vector<16xf32>,
      tpu.vector_store_idx %arg15[%add3A_13, %broadcast_in_dim3A_516], %gather3A_528 : memref<64x512xf32, #tpu.memory_space<vmem>>[vector<16xi32>, vector<16xi32>], vector<16xf32>,
      %gather3A_529 = tpu.vector_load_idx %arg11[%add3A_17, %broadcast_in_dim3A_511] : memref<64x128xf32, #tpu.memory_space<vmem>>[vector<16xi32>, vector<16xi32>], vector<16xf32>,
      tpu.vector_store_idx %arg15[%add3A_17, %broadcast_in_dim3A_516], %gather3A_529 : memref<64x512xf32, #tpu.memory_space<vmem>>[vector<16xi32>, vector<16xi32>], vector<16xf32>,
      %bitcast3A_530 = vector.bitcast %gather3A_529 : vector<16xf32> to vector<16xi32>
      %slice3A_531 = vector.extract_strided_slice %bitcast3A_530 {offsets = [0], sizes = [1], strides = [1]} : vector<16xi32> to vector<1xi32>
      %squeeze3A_532 = vector.extract %slice3A_531[0] : i32 from vector<1xi32>
      %and3A_533 = arith.constant 0 : i32
      %and3A_534 = arith.andi %squeeze3A_532, %and3A_533 : i32
      %lt3A_535 = arith.constant 63 : i32
      %lt3A_536 = arith.cmpi slt, %add3A_349, %lt3A_535 : i32
      %convert_element_type3A_537 = arith.extui %lt3A_536 : i1 to i32
      %cond3A_538 = arith.constant 0 : i32
      %cond3A_539 = arith.cmpi ne, %convert_element_type3A_537, %cond3A_538 : i32
      scf.if %cond3A_539 {
        %slice3A_633 = vector.extract_strided_slice %get3A_359 {offsets = [4], sizes = [1], strides = [1]} : vector<16xi32> to vector<1xi32>
        %squeeze3A_634 = vector.extract %slice3A_633[0] : i32 from vector<1xi32>
        %add3A_635 = arith.addi %squeeze3A_634, %and3A_534 : i32
        %min3A_636 = arith.constant 999935 : i32
        %min3A_637 = arith.minsi %add3A_635, %min3A_636 : i32
        %jit3A_638 = arith.constant 128 : i32
        %div3A_639 = arith.divsi %min3A_637, %jit3A_638 : i32
        %sign3A_640 = arith.constant 0 : i32
        %sign3A_641 = arith.cmpi sgt, %min3A_637, %sign3A_640 : i32
        %sign3A_642 = arith.extui %sign3A_641 : i1 to i32
        %sign3A_643 = arith.constant 0 : i32
        %sign3A_644 = arith.cmpi slt, %min3A_637, %sign3A_643 : i32
        %sign3A_645 = arith.extui %sign3A_644 : i1 to i32
        %sign3A_646 = arith.subi %sign3A_642, %sign3A_645 : i32
        %sign3A_647 = arith.constant 0 : i32
        %sign3A_648 = arith.cmpi sgt, %jit3A_638, %sign3A_647 : i32
        %sign3A_649 = arith.extui %sign3A_648 : i1 to i32
        %sign3A_650 = arith.constant 0 : i32
        %sign3A_651 = arith.cmpi slt, %jit3A_638, %sign3A_650 : i32
        %sign3A_652 = arith.extui %sign3A_651 : i1 to i32
        %sign3A_653 = arith.subi %sign3A_649, %sign3A_652 : i32
        %ne3A_654 = arith.cmpi ne, %sign3A_646, %sign3A_653 : i32
        %rem3A_655 = arith.remsi %min3A_637, %jit3A_638 : i32
        %ne3A_656 = arith.constant 0 : i32
        %ne3A_657 = arith.cmpi ne, %rem3A_655, %ne3A_656 : i32
        %and3A_658 = arith.andi %ne3A_654, %ne3A_657 : i1
        %sub3A_659 = arith.constant 1 : i32
        %sub3A_660 = arith.subi %div3A_639, %sub3A_659 : i32
        %select_n3A_661 = arith.select %and3A_658, %sub3A_660, %div3A_639 : i32
        %mul3A_662 = arith.constant 128 : i32
        %mul3A_663 = arith.muli %select_n3A_661, %mul3A_662 : i32
        %multiple_of3A_664 = tpu.assume_multiple %mul3A_663, 128 : i32
        %lt3A_665 = arith.constant 999936 : i32
        %lt3A_666 = arith.cmpi slt, %add3A_635, %lt3A_665 : i32
        %convert_element_type3A_667 = arith.extui %lt3A_666 : i1 to i32
        %cond3A_668 = arith.constant 0 : i32
        %cond3A_669 = arith.cmpi ne, %convert_element_type3A_667, %cond3A_668 : i32
        scf.if %cond3A_669 {
          %dma_start3A = arith.constant 4 : i32
          %dma_start3A_675 = arith.constant 0 : i32
          %dma_start3A_676 = tpu.memref_slice %arg3[%dma_start3A_675, %multiple_of3A_664] : memref<64x1000000xf32, #tpu.memory_space<hbm>> -> memref<64x128xf32, #tpu.memory_space<hbm>>
          %dma_start3A_677 = tpu.memref_slice %arg16[%dma_start3A] : memref<8x!tpu.dma_semaphore, #tpu.memory_space<semaphore_mem>> -> memref<1x!tpu.dma_semaphore, #tpu.memory_space<semaphore_mem>>
          %dma_start3A_678 = tpu.memref_squeeze %dma_start3A_677 : memref<1x!tpu.dma_semaphore, #tpu.memory_space<semaphore_mem>> -> memref<!tpu.dma_semaphore, #tpu.memory_space<semaphore_mem>>
          %dma_start3A_679 = arith.constant 0 : i32
          %dma_start3A_680 = tpu.memref_slice %arg3[%dma_start3A_679, %multiple_of3A_664] : memref<64x1000000xf32, #tpu.memory_space<hbm>> -> memref<64x128xf32, #tpu.memory_space<hbm>>
          tpu.enqueue_dma source(%dma_start3A_680 : memref<64x128xf32, #tpu.memory_space<hbm>>) target(%arg11 : memref<64x128xf32, #tpu.memory_space<vmem>>) target_semaphore(%dma_start3A_678 : memref<!tpu.dma_semaphore, #tpu.memory_space<semaphore_mem>>)
        } else {
        }
        %ge3A_670 = arith.constant 999936 : i32
        %ge3A_671 = arith.cmpi sge, %add3A_635, %ge3A_670 : i32
        %convert_element_type3A_672 = arith.extui %ge3A_671 : i1 to i32
        %cond3A_673 = arith.constant 0 : i32
        %cond3A_674 = arith.cmpi ne, %convert_element_type3A_672, %cond3A_673 : i32
        scf.if %cond3A_674 {
          %dma_start3A = arith.constant 4 : i32
          %dma_start3A_675 = tpu.memref_slice %arg16[%dma_start3A] : memref<8x!tpu.dma_semaphore, #tpu.memory_space<semaphore_mem>> -> memref<1x!tpu.dma_semaphore, #tpu.memory_space<semaphore_mem>>
          %dma_start3A_676 = tpu.memref_squeeze %dma_start3A_675 : memref<1x!tpu.dma_semaphore, #tpu.memory_space<semaphore_mem>> -> memref<!tpu.dma_semaphore, #tpu.memory_space<semaphore_mem>>
          tpu.enqueue_dma source(%arg4 : memref<64x128xf32, #tpu.memory_space<hbm>>) target(%arg11 : memref<64x128xf32, #tpu.memory_space<vmem>>) target_semaphore(%dma_start3A_676 : memref<!tpu.dma_semaphore, #tpu.memory_space<semaphore_mem>>)
        } else {
        }
      } else {
      }
      %slice3A_540 = vector.extract_strided_slice %select_n3A_387 {offsets = [5], sizes = [1], strides = [1]} : vector<16xi32> to vector<1xi32>
      %squeeze3A_541 = vector.extract %slice3A_540[0] : i32 from vector<1xi32>
      %broadcast_in_dim3A_542 = vector.broadcast %squeeze3A_541 : i32 to vector<16xi32>
      %mul3A_543 = arith.constant 8 : i32
      %mul3A_544 = arith.muli %add3A_349, %mul3A_543 : i32
      %add3A_545 = arith.constant 5 : i32
      %add3A_546 = arith.addi %mul3A_544, %add3A_545 : i32
      %broadcast_in_dim3A_547 = vector.broadcast %add3A_546 : i32 to vector<16xi32>
      %dma_wait3A_548 = arith.constant 5 : i32
      %dma_wait3A_549 = arith.constant 0 : i32
      %dma_wait3A_550 = arith.constant 0 : i32
      %dma_wait3A_551 = tpu.memref_slice %arg3[%dma_wait3A_549, %dma_wait3A_550] : memref<64x1000000xf32, #tpu.memory_space<hbm>> -> memref<64x128xf32, #tpu.memory_space<hbm>>
      %dma_wait3A_552 = tpu.memref_slice %arg16[%dma_wait3A_548] : memref<8x!tpu.dma_semaphore, #tpu.memory_space<semaphore_mem>> -> memref<1x!tpu.dma_semaphore, #tpu.memory_space<semaphore_mem>>
      %dma_wait3A_553 = tpu.memref_squeeze %dma_wait3A_552 : memref<1x!tpu.dma_semaphore, #tpu.memory_space<semaphore_mem>> -> memref<!tpu.dma_semaphore, #tpu.memory_space<semaphore_mem>>
      %dma_wait3A_554 = arith.constant 0 : i32
      %dma_wait3A_555 = arith.constant 0 : i32
      %dma_wait3A_556 = tpu.memref_slice %arg3[%dma_wait3A_554, %dma_wait3A_555] : memref<64x1000000xf32, #tpu.memory_space<hbm>> -> memref<64x128xf32, #tpu.memory_space<hbm>>
      tpu.wait_dma2 semaphore(%dma_wait3A_553 : memref<!tpu.dma_semaphore, #tpu.memory_space<semaphore_mem>>) src(%dma_wait3A_556 : memref<64x128xf32, #tpu.memory_space<hbm>>) dst(%arg12 : memref<64x128xf32, #tpu.memory_space<vmem>>)
      %gather3A_557 = tpu.vector_load_idx %arg12[%add3A_5, %broadcast_in_dim3A_542] : memref<64x128xf32, #tpu.memory_space<vmem>>[vector<16xi32>, vector<16xi32>], vector<16xf32>,
      tpu.vector_store_idx %arg15[%add3A_5, %broadcast_in_dim3A_547], %gather3A_557 : memref<64x512xf32, #tpu.memory_space<vmem>>[vector<16xi32>, vector<16xi32>], vector<16xf32>,
      %gather3A_558 = tpu.vector_load_idx %arg12[%add3A_9, %broadcast_in_dim3A_542] : memref<64x128xf32, #tpu.memory_space<vmem>>[vector<16xi32>, vector<16xi32>], vector<16xf32>,
      tpu.vector_store_idx %arg15[%add3A_9, %broadcast_in_dim3A_547], %gather3A_558 : memref<64x512xf32, #tpu.memory_space<vmem>>[vector<16xi32>, vector<16xi32>], vector<16xf32>,
      %gather3A_559 = tpu.vector_load_idx %arg12[%add3A_13, %broadcast_in_dim3A_542] : memref<64x128xf32, #tpu.memory_space<vmem>>[vector<16xi32>, vector<16xi32>], vector<16xf32>,
      tpu.vector_store_idx %arg15[%add3A_13, %broadcast_in_dim3A_547], %gather3A_559 : memref<64x512xf32, #tpu.memory_space<vmem>>[vector<16xi32>, vector<16xi32>], vector<16xf32>,
      %gather3A_560 = tpu.vector_load_idx %arg12[%add3A_17, %broadcast_in_dim3A_542] : memref<64x128xf32, #tpu.memory_space<vmem>>[vector<16xi32>, vector<16xi32>], vector<16xf32>,
      tpu.vector_store_idx %arg15[%add3A_17, %broadcast_in_dim3A_547], %gather3A_560 : memref<64x512xf32, #tpu.memory_space<vmem>>[vector<16xi32>, vector<16xi32>], vector<16xf32>,
      %bitcast3A_561 = vector.bitcast %gather3A_560 : vector<16xf32> to vector<16xi32>
      %slice3A_562 = vector.extract_strided_slice %bitcast3A_561 {offsets = [0], sizes = [1], strides = [1]} : vector<16xi32> to vector<1xi32>
      %squeeze3A_563 = vector.extract %slice3A_562[0] : i32 from vector<1xi32>
      %and3A_564 = arith.constant 0 : i32
      %and3A_565 = arith.andi %squeeze3A_563, %and3A_564 : i32
      %lt3A_566 = arith.constant 63 : i32
      %lt3A_567 = arith.cmpi slt, %add3A_349, %lt3A_566 : i32
      %convert_element_type3A_568 = arith.extui %lt3A_567 : i1 to i32
      %cond3A_569 = arith.constant 0 : i32
      %cond3A_570 = arith.cmpi ne, %convert_element_type3A_568, %cond3A_569 : i32
      scf.if %cond3A_570 {
        %slice3A_633 = vector.extract_strided_slice %get3A_359 {offsets = [5], sizes = [1], strides = [1]} : vector<16xi32> to vector<1xi32>
        %squeeze3A_634 = vector.extract %slice3A_633[0] : i32 from vector<1xi32>
        %add3A_635 = arith.addi %squeeze3A_634, %and3A_565 : i32
        %min3A_636 = arith.constant 999935 : i32
        %min3A_637 = arith.minsi %add3A_635, %min3A_636 : i32
        %jit3A_638 = arith.constant 128 : i32
        %div3A_639 = arith.divsi %min3A_637, %jit3A_638 : i32
        %sign3A_640 = arith.constant 0 : i32
        %sign3A_641 = arith.cmpi sgt, %min3A_637, %sign3A_640 : i32
        %sign3A_642 = arith.extui %sign3A_641 : i1 to i32
        %sign3A_643 = arith.constant 0 : i32
        %sign3A_644 = arith.cmpi slt, %min3A_637, %sign3A_643 : i32
        %sign3A_645 = arith.extui %sign3A_644 : i1 to i32
        %sign3A_646 = arith.subi %sign3A_642, %sign3A_645 : i32
        %sign3A_647 = arith.constant 0 : i32
        %sign3A_648 = arith.cmpi sgt, %jit3A_638, %sign3A_647 : i32
        %sign3A_649 = arith.extui %sign3A_648 : i1 to i32
        %sign3A_650 = arith.constant 0 : i32
        %sign3A_651 = arith.cmpi slt, %jit3A_638, %sign3A_650 : i32
        %sign3A_652 = arith.extui %sign3A_651 : i1 to i32
        %sign3A_653 = arith.subi %sign3A_649, %sign3A_652 : i32
        %ne3A_654 = arith.cmpi ne, %sign3A_646, %sign3A_653 : i32
        %rem3A_655 = arith.remsi %min3A_637, %jit3A_638 : i32
        %ne3A_656 = arith.constant 0 : i32
        %ne3A_657 = arith.cmpi ne, %rem3A_655, %ne3A_656 : i32
        %and3A_658 = arith.andi %ne3A_654, %ne3A_657 : i1
        %sub3A_659 = arith.constant 1 : i32
        %sub3A_660 = arith.subi %div3A_639, %sub3A_659 : i32
        %select_n3A_661 = arith.select %and3A_658, %sub3A_660, %div3A_639 : i32
        %mul3A_662 = arith.constant 128 : i32
        %mul3A_663 = arith.muli %select_n3A_661, %mul3A_662 : i32
        %multiple_of3A_664 = tpu.assume_multiple %mul3A_663, 128 : i32
        %lt3A_665 = arith.constant 999936 : i32
        %lt3A_666 = arith.cmpi slt, %add3A_635, %lt3A_665 : i32
        %convert_element_type3A_667 = arith.extui %lt3A_666 : i1 to i32
        %cond3A_668 = arith.constant 0 : i32
        %cond3A_669 = arith.cmpi ne, %convert_element_type3A_667, %cond3A_668 : i32
        scf.if %cond3A_669 {
          %dma_start3A = arith.constant 5 : i32
          %dma_start3A_675 = arith.constant 0 : i32
          %dma_start3A_676 = tpu.memref_slice %arg3[%dma_start3A_675, %multiple_of3A_664] : memref<64x1000000xf32, #tpu.memory_space<hbm>> -> memref<64x128xf32, #tpu.memory_space<hbm>>
          %dma_start3A_677 = tpu.memref_slice %arg16[%dma_start3A] : memref<8x!tpu.dma_semaphore, #tpu.memory_space<semaphore_mem>> -> memref<1x!tpu.dma_semaphore, #tpu.memory_space<semaphore_mem>>
          %dma_start3A_678 = tpu.memref_squeeze %dma_start3A_677 : memref<1x!tpu.dma_semaphore, #tpu.memory_space<semaphore_mem>> -> memref<!tpu.dma_semaphore, #tpu.memory_space<semaphore_mem>>
          %dma_start3A_679 = arith.constant 0 : i32
          %dma_start3A_680 = tpu.memref_slice %arg3[%dma_start3A_679, %multiple_of3A_664] : memref<64x1000000xf32, #tpu.memory_space<hbm>> -> memref<64x128xf32, #tpu.memory_space<hbm>>
          tpu.enqueue_dma source(%dma_start3A_680 : memref<64x128xf32, #tpu.memory_space<hbm>>) target(%arg12 : memref<64x128xf32, #tpu.memory_space<vmem>>) target_semaphore(%dma_start3A_678 : memref<!tpu.dma_semaphore, #tpu.memory_space<semaphore_mem>>)
        } else {
        }
        %ge3A_670 = arith.constant 999936 : i32
        %ge3A_671 = arith.cmpi sge, %add3A_635, %ge3A_670 : i32
        %convert_element_type3A_672 = arith.extui %ge3A_671 : i1 to i32
        %cond3A_673 = arith.constant 0 : i32
        %cond3A_674 = arith.cmpi ne, %convert_element_type3A_672, %cond3A_673 : i32
        scf.if %cond3A_674 {
          %dma_start3A = arith.constant 5 : i32
          %dma_start3A_675 = tpu.memref_slice %arg16[%dma_start3A] : memref<8x!tpu.dma_semaphore, #tpu.memory_space<semaphore_mem>> -> memref<1x!tpu.dma_semaphore, #tpu.memory_space<semaphore_mem>>
          %dma_start3A_676 = tpu.memref_squeeze %dma_start3A_675 : memref<1x!tpu.dma_semaphore, #tpu.memory_space<semaphore_mem>> -> memref<!tpu.dma_semaphore, #tpu.memory_space<semaphore_mem>>
          tpu.enqueue_dma source(%arg4 : memref<64x128xf32, #tpu.memory_space<hbm>>) target(%arg12 : memref<64x128xf32, #tpu.memory_space<vmem>>) target_semaphore(%dma_start3A_676 : memref<!tpu.dma_semaphore, #tpu.memory_space<semaphore_mem>>)
        } else {
        }
      } else {
      }
      %slice3A_571 = vector.extract_strided_slice %select_n3A_387 {offsets = [6], sizes = [1], strides = [1]} : vector<16xi32> to vector<1xi32>
      %squeeze3A_572 = vector.extract %slice3A_571[0] : i32 from vector<1xi32>
      %broadcast_in_dim3A_573 = vector.broadcast %squeeze3A_572 : i32 to vector<16xi32>
      %mul3A_574 = arith.constant 8 : i32
      %mul3A_575 = arith.muli %add3A_349, %mul3A_574 : i32
      %add3A_576 = arith.constant 6 : i32
      %add3A_577 = arith.addi %mul3A_575, %add3A_576 : i32
      %broadcast_in_dim3A_578 = vector.broadcast %add3A_577 : i32 to vector<16xi32>
      %dma_wait3A_579 = arith.constant 6 : i32
      %dma_wait3A_580 = arith.constant 0 : i32
      %dma_wait3A_581 = arith.constant 0 : i32
      %dma_wait3A_582 = tpu.memref_slice %arg3[%dma_wait3A_580, %dma_wait3A_581] : memref<64x1000000xf32, #tpu.memory_space<hbm>> -> memref<64x128xf32, #tpu.memory_space<hbm>>
      %dma_wait3A_583 = tpu.memref_slice %arg16[%dma_wait3A_579] : memref<8x!tpu.dma_semaphore, #tpu.memory_space<semaphore_mem>> -> memref<1x!tpu.dma_semaphore, #tpu.memory_space<semaphore_mem>>
      %dma_wait3A_584 = tpu.memref_squeeze %dma_wait3A_583 : memref<1x!tpu.dma_semaphore, #tpu.memory_space<semaphore_mem>> -> memref<!tpu.dma_semaphore, #tpu.memory_space<semaphore_mem>>
      %dma_wait3A_585 = arith.constant 0 : i32
      %dma_wait3A_586 = arith.constant 0 : i32
      %dma_wait3A_587 = tpu.memref_slice %arg3[%dma_wait3A_585, %dma_wait3A_586] : memref<64x1000000xf32, #tpu.memory_space<hbm>> -> memref<64x128xf32, #tpu.memory_space<hbm>>
      tpu.wait_dma2 semaphore(%dma_wait3A_584 : memref<!tpu.dma_semaphore, #tpu.memory_space<semaphore_mem>>) src(%dma_wait3A_587 : memref<64x128xf32, #tpu.memory_space<hbm>>) dst(%arg13 : memref<64x128xf32, #tpu.memory_space<vmem>>)
      %gather3A_588 = tpu.vector_load_idx %arg13[%add3A_5, %broadcast_in_dim3A_573] : memref<64x128xf32, #tpu.memory_space<vmem>>[vector<16xi32>, vector<16xi32>], vector<16xf32>,
      tpu.vector_store_idx %arg15[%add3A_5, %broadcast_in_dim3A_578], %gather3A_588 : memref<64x512xf32, #tpu.memory_space<vmem>>[vector<16xi32>, vector<16xi32>], vector<16xf32>,
      %gather3A_589 = tpu.vector_load_idx %arg13[%add3A_9, %broadcast_in_dim3A_573] : memref<64x128xf32, #tpu.memory_space<vmem>>[vector<16xi32>, vector<16xi32>], vector<16xf32>,
      tpu.vector_store_idx %arg15[%add3A_9, %broadcast_in_dim3A_578], %gather3A_589 : memref<64x512xf32, #tpu.memory_space<vmem>>[vector<16xi32>, vector<16xi32>], vector<16xf32>,
      %gather3A_590 = tpu.vector_load_idx %arg13[%add3A_13, %broadcast_in_dim3A_573] : memref<64x128xf32, #tpu.memory_space<vmem>>[vector<16xi32>, vector<16xi32>], vector<16xf32>,
      tpu.vector_store_idx %arg15[%add3A_13, %broadcast_in_dim3A_578], %gather3A_590 : memref<64x512xf32, #tpu.memory_space<vmem>>[vector<16xi32>, vector<16xi32>], vector<16xf32>,
      %gather3A_591 = tpu.vector_load_idx %arg13[%add3A_17, %broadcast_in_dim3A_573] : memref<64x128xf32, #tpu.memory_space<vmem>>[vector<16xi32>, vector<16xi32>], vector<16xf32>,
      tpu.vector_store_idx %arg15[%add3A_17, %broadcast_in_dim3A_578], %gather3A_591 : memref<64x512xf32, #tpu.memory_space<vmem>>[vector<16xi32>, vector<16xi32>], vector<16xf32>,
      %bitcast3A_592 = vector.bitcast %gather3A_591 : vector<16xf32> to vector<16xi32>
      %slice3A_593 = vector.extract_strided_slice %bitcast3A_592 {offsets = [0], sizes = [1], strides = [1]} : vector<16xi32> to vector<1xi32>
      %squeeze3A_594 = vector.extract %slice3A_593[0] : i32 from vector<1xi32>
      %and3A_595 = arith.constant 0 : i32
      %and3A_596 = arith.andi %squeeze3A_594, %and3A_595 : i32
      %lt3A_597 = arith.constant 63 : i32
      %lt3A_598 = arith.cmpi slt, %add3A_349, %lt3A_597 : i32
      %convert_element_type3A_599 = arith.extui %lt3A_598 : i1 to i32
      %cond3A_600 = arith.constant 0 : i32
      %cond3A_601 = arith.cmpi ne, %convert_element_type3A_599, %cond3A_600 : i32
      scf.if %cond3A_601 {
        %slice3A_633 = vector.extract_strided_slice %get3A_359 {offsets = [6], sizes = [1], strides = [1]} : vector<16xi32> to vector<1xi32>
        %squeeze3A_634 = vector.extract %slice3A_633[0] : i32 from vector<1xi32>
        %add3A_635 = arith.addi %squeeze3A_634, %and3A_596 : i32
        %min3A_636 = arith.constant 999935 : i32
        %min3A_637 = arith.minsi %add3A_635, %min3A_636 : i32
        %jit3A_638 = arith.constant 128 : i32
        %div3A_639 = arith.divsi %min3A_637, %jit3A_638 : i32
        %sign3A_640 = arith.constant 0 : i32
        %sign3A_641 = arith.cmpi sgt, %min3A_637, %sign3A_640 : i32
        %sign3A_642 = arith.extui %sign3A_641 : i1 to i32
        %sign3A_643 = arith.constant 0 : i32
        %sign3A_644 = arith.cmpi slt, %min3A_637, %sign3A_643 : i32
        %sign3A_645 = arith.extui %sign3A_644 : i1 to i32
        %sign3A_646 = arith.subi %sign3A_642, %sign3A_645 : i32
        %sign3A_647 = arith.constant 0 : i32
        %sign3A_648 = arith.cmpi sgt, %jit3A_638, %sign3A_647 : i32
        %sign3A_649 = arith.extui %sign3A_648 : i1 to i32
        %sign3A_650 = arith.constant 0 : i32
        %sign3A_651 = arith.cmpi slt, %jit3A_638, %sign3A_650 : i32
        %sign3A_652 = arith.extui %sign3A_651 : i1 to i32
        %sign3A_653 = arith.subi %sign3A_649, %sign3A_652 : i32
        %ne3A_654 = arith.cmpi ne, %sign3A_646, %sign3A_653 : i32
        %rem3A_655 = arith.remsi %min3A_637, %jit3A_638 : i32
        %ne3A_656 = arith.constant 0 : i32
        %ne3A_657 = arith.cmpi ne, %rem3A_655, %ne3A_656 : i32
        %and3A_658 = arith.andi %ne3A_654, %ne3A_657 : i1
        %sub3A_659 = arith.constant 1 : i32
        %sub3A_660 = arith.subi %div3A_639, %sub3A_659 : i32
        %select_n3A_661 = arith.select %and3A_658, %sub3A_660, %div3A_639 : i32
        %mul3A_662 = arith.constant 128 : i32
        %mul3A_663 = arith.muli %select_n3A_661, %mul3A_662 : i32
        %multiple_of3A_664 = tpu.assume_multiple %mul3A_663, 128 : i32
        %lt3A_665 = arith.constant 999936 : i32
        %lt3A_666 = arith.cmpi slt, %add3A_635, %lt3A_665 : i32
        %convert_element_type3A_667 = arith.extui %lt3A_666 : i1 to i32
        %cond3A_668 = arith.constant 0 : i32
        %cond3A_669 = arith.cmpi ne, %convert_element_type3A_667, %cond3A_668 : i32
        scf.if %cond3A_669 {
          %dma_start3A = arith.constant 6 : i32
          %dma_start3A_675 = arith.constant 0 : i32
          %dma_start3A_676 = tpu.memref_slice %arg3[%dma_start3A_675, %multiple_of3A_664] : memref<64x1000000xf32, #tpu.memory_space<hbm>> -> memref<64x128xf32, #tpu.memory_space<hbm>>
          %dma_start3A_677 = tpu.memref_slice %arg16[%dma_start3A] : memref<8x!tpu.dma_semaphore, #tpu.memory_space<semaphore_mem>> -> memref<1x!tpu.dma_semaphore, #tpu.memory_space<semaphore_mem>>
          %dma_start3A_678 = tpu.memref_squeeze %dma_start3A_677 : memref<1x!tpu.dma_semaphore, #tpu.memory_space<semaphore_mem>> -> memref<!tpu.dma_semaphore, #tpu.memory_space<semaphore_mem>>
          %dma_start3A_679 = arith.constant 0 : i32
          %dma_start3A_680 = tpu.memref_slice %arg3[%dma_start3A_679, %multiple_of3A_664] : memref<64x1000000xf32, #tpu.memory_space<hbm>> -> memref<64x128xf32, #tpu.memory_space<hbm>>
          tpu.enqueue_dma source(%dma_start3A_680 : memref<64x128xf32, #tpu.memory_space<hbm>>) target(%arg13 : memref<64x128xf32, #tpu.memory_space<vmem>>) target_semaphore(%dma_start3A_678 : memref<!tpu.dma_semaphore, #tpu.memory_space<semaphore_mem>>)
        } else {
        }
        %ge3A_670 = arith.constant 999936 : i32
        %ge3A_671 = arith.cmpi sge, %add3A_635, %ge3A_670 : i32
        %convert_element_type3A_672 = arith.extui %ge3A_671 : i1 to i32
        %cond3A_673 = arith.constant 0 : i32
        %cond3A_674 = arith.cmpi ne, %convert_element_type3A_672, %cond3A_673 : i32
        scf.if %cond3A_674 {
          %dma_start3A = arith.constant 6 : i32
          %dma_start3A_675 = tpu.memref_slice %arg16[%dma_start3A] : memref<8x!tpu.dma_semaphore, #tpu.memory_space<semaphore_mem>> -> memref<1x!tpu.dma_semaphore, #tpu.memory_space<semaphore_mem>>
          %dma_start3A_676 = tpu.memref_squeeze %dma_start3A_675 : memref<1x!tpu.dma_semaphore, #tpu.memory_space<semaphore_mem>> -> memref<!tpu.dma_semaphore, #tpu.memory_space<semaphore_mem>>
          tpu.enqueue_dma source(%arg4 : memref<64x128xf32, #tpu.memory_space<hbm>>) target(%arg13 : memref<64x128xf32, #tpu.memory_space<vmem>>) target_semaphore(%dma_start3A_676 : memref<!tpu.dma_semaphore, #tpu.memory_space<semaphore_mem>>)
        } else {
        }
      } else {
      }
      %slice3A_602 = vector.extract_strided_slice %select_n3A_387 {offsets = [7], sizes = [1], strides = [1]} : vector<16xi32> to vector<1xi32>
      %squeeze3A_603 = vector.extract %slice3A_602[0] : i32 from vector<1xi32>
      %broadcast_in_dim3A_604 = vector.broadcast %squeeze3A_603 : i32 to vector<16xi32>
      %mul3A_605 = arith.constant 8 : i32
      %mul3A_606 = arith.muli %add3A_349, %mul3A_605 : i32
      %add3A_607 = arith.constant 7 : i32
      %add3A_608 = arith.addi %mul3A_606, %add3A_607 : i32
      %broadcast_in_dim3A_609 = vector.broadcast %add3A_608 : i32 to vector<16xi32>
      %dma_wait3A_610 = arith.constant 7 : i32
      %dma_wait3A_611 = arith.constant 0 : i32
      %dma_wait3A_612 = arith.constant 0 : i32
      %dma_wait3A_613 = tpu.memref_slice %arg3[%dma_wait3A_611, %dma_wait3A_612] : memref<64x1000000xf32, #tpu.memory_space<hbm>> -> memref<64x128xf32, #tpu.memory_space<hbm>>
      %dma_wait3A_614 = tpu.memref_slice %arg16[%dma_wait3A_610] : memref<8x!tpu.dma_semaphore, #tpu.memory_space<semaphore_mem>> -> memref<1x!tpu.dma_semaphore, #tpu.memory_space<semaphore_mem>>
      %dma_wait3A_615 = tpu.memref_squeeze %dma_wait3A_614 : memref<1x!tpu.dma_semaphore, #tpu.memory_space<semaphore_mem>> -> memref<!tpu.dma_semaphore, #tpu.memory_space<semaphore_mem>>
      %dma_wait3A_616 = arith.constant 0 : i32
      %dma_wait3A_617 = arith.constant 0 : i32
      %dma_wait3A_618 = tpu.memref_slice %arg3[%dma_wait3A_616, %dma_wait3A_617] : memref<64x1000000xf32, #tpu.memory_space<hbm>> -> memref<64x128xf32, #tpu.memory_space<hbm>>
      tpu.wait_dma2 semaphore(%dma_wait3A_615 : memref<!tpu.dma_semaphore, #tpu.memory_space<semaphore_mem>>) src(%dma_wait3A_618 : memref<64x128xf32, #tpu.memory_space<hbm>>) dst(%arg14 : memref<64x128xf32, #tpu.memory_space<vmem>>)
      %gather3A_619 = tpu.vector_load_idx %arg14[%add3A_5, %broadcast_in_dim3A_604] : memref<64x128xf32, #tpu.memory_space<vmem>>[vector<16xi32>, vector<16xi32>], vector<16xf32>,
      tpu.vector_store_idx %arg15[%add3A_5, %broadcast_in_dim3A_609], %gather3A_619 : memref<64x512xf32, #tpu.memory_space<vmem>>[vector<16xi32>, vector<16xi32>], vector<16xf32>,
      %gather3A_620 = tpu.vector_load_idx %arg14[%add3A_9, %broadcast_in_dim3A_604] : memref<64x128xf32, #tpu.memory_space<vmem>>[vector<16xi32>, vector<16xi32>], vector<16xf32>,
      tpu.vector_store_idx %arg15[%add3A_9, %broadcast_in_dim3A_609], %gather3A_620 : memref<64x512xf32, #tpu.memory_space<vmem>>[vector<16xi32>, vector<16xi32>], vector<16xf32>,
      %gather3A_621 = tpu.vector_load_idx %arg14[%add3A_13, %broadcast_in_dim3A_604] : memref<64x128xf32, #tpu.memory_space<vmem>>[vector<16xi32>, vector<16xi32>], vector<16xf32>,
      tpu.vector_store_idx %arg15[%add3A_13, %broadcast_in_dim3A_609], %gather3A_621 : memref<64x512xf32, #tpu.memory_space<vmem>>[vector<16xi32>, vector<16xi32>], vector<16xf32>,
      %gather3A_622 = tpu.vector_load_idx %arg14[%add3A_17, %broadcast_in_dim3A_604] : memref<64x128xf32, #tpu.memory_space<vmem>>[vector<16xi32>, vector<16xi32>], vector<16xf32>,
      tpu.vector_store_idx %arg15[%add3A_17, %broadcast_in_dim3A_609], %gather3A_622 : memref<64x512xf32, #tpu.memory_space<vmem>>[vector<16xi32>, vector<16xi32>], vector<16xf32>,
      %bitcast3A_623 = vector.bitcast %gather3A_622 : vector<16xf32> to vector<16xi32>
      %slice3A_624 = vector.extract_strided_slice %bitcast3A_623 {offsets = [0], sizes = [1], strides = [1]} : vector<16xi32> to vector<1xi32>
      %squeeze3A_625 = vector.extract %slice3A_624[0] : i32 from vector<1xi32>
      %and3A_626 = arith.constant 0 : i32
      %and3A_627 = arith.andi %squeeze3A_625, %and3A_626 : i32
      %lt3A_628 = arith.constant 63 : i32
      %lt3A_629 = arith.cmpi slt, %add3A_349, %lt3A_628 : i32
      %convert_element_type3A_630 = arith.extui %lt3A_629 : i1 to i32
      %cond3A_631 = arith.constant 0 : i32
      %cond3A_632 = arith.cmpi ne, %convert_element_type3A_630, %cond3A_631 : i32
      scf.if %cond3A_632 {
        %slice3A_633 = vector.extract_strided_slice %get3A_359 {offsets = [7], sizes = [1], strides = [1]} : vector<16xi32> to vector<1xi32>
        %squeeze3A_634 = vector.extract %slice3A_633[0] : i32 from vector<1xi32>
        %add3A_635 = arith.addi %squeeze3A_634, %and3A_627 : i32
        %min3A_636 = arith.constant 999935 : i32
        %min3A_637 = arith.minsi %add3A_635, %min3A_636 : i32
        %jit3A_638 = arith.constant 128 : i32
        %div3A_639 = arith.divsi %min3A_637, %jit3A_638 : i32
        %sign3A_640 = arith.constant 0 : i32
        %sign3A_641 = arith.cmpi sgt, %min3A_637, %sign3A_640 : i32
        %sign3A_642 = arith.extui %sign3A_641 : i1 to i32
        %sign3A_643 = arith.constant 0 : i32
        %sign3A_644 = arith.cmpi slt, %min3A_637, %sign3A_643 : i32
        %sign3A_645 = arith.extui %sign3A_644 : i1 to i32
        %sign3A_646 = arith.subi %sign3A_642, %sign3A_645 : i32
        %sign3A_647 = arith.constant 0 : i32
        %sign3A_648 = arith.cmpi sgt, %jit3A_638, %sign3A_647 : i32
        %sign3A_649 = arith.extui %sign3A_648 : i1 to i32
        %sign3A_650 = arith.constant 0 : i32
        %sign3A_651 = arith.cmpi slt, %jit3A_638, %sign3A_650 : i32
        %sign3A_652 = arith.extui %sign3A_651 : i1 to i32
        %sign3A_653 = arith.subi %sign3A_649, %sign3A_652 : i32
        %ne3A_654 = arith.cmpi ne, %sign3A_646, %sign3A_653 : i32
        %rem3A_655 = arith.remsi %min3A_637, %jit3A_638 : i32
        %ne3A_656 = arith.constant 0 : i32
        %ne3A_657 = arith.cmpi ne, %rem3A_655, %ne3A_656 : i32
        %and3A_658 = arith.andi %ne3A_654, %ne3A_657 : i1
        %sub3A_659 = arith.constant 1 : i32
        %sub3A_660 = arith.subi %div3A_639, %sub3A_659 : i32
        %select_n3A_661 = arith.select %and3A_658, %sub3A_660, %div3A_639 : i32
        %mul3A_662 = arith.constant 128 : i32
        %mul3A_663 = arith.muli %select_n3A_661, %mul3A_662 : i32
        %multiple_of3A_664 = tpu.assume_multiple %mul3A_663, 128 : i32
        %lt3A_665 = arith.constant 999936 : i32
        %lt3A_666 = arith.cmpi slt, %add3A_635, %lt3A_665 : i32
        %convert_element_type3A_667 = arith.extui %lt3A_666 : i1 to i32
        %cond3A_668 = arith.constant 0 : i32
        %cond3A_669 = arith.cmpi ne, %convert_element_type3A_667, %cond3A_668 : i32
        scf.if %cond3A_669 {
          %dma_start3A = arith.constant 7 : i32
          %dma_start3A_675 = arith.constant 0 : i32
          %dma_start3A_676 = tpu.memref_slice %arg3[%dma_start3A_675, %multiple_of3A_664] : memref<64x1000000xf32, #tpu.memory_space<hbm>> -> memref<64x128xf32, #tpu.memory_space<hbm>>
          %dma_start3A_677 = tpu.memref_slice %arg16[%dma_start3A] : memref<8x!tpu.dma_semaphore, #tpu.memory_space<semaphore_mem>> -> memref<1x!tpu.dma_semaphore, #tpu.memory_space<semaphore_mem>>
          %dma_start3A_678 = tpu.memref_squeeze %dma_start3A_677 : memref<1x!tpu.dma_semaphore, #tpu.memory_space<semaphore_mem>> -> memref<!tpu.dma_semaphore, #tpu.memory_space<semaphore_mem>>
          %dma_start3A_679 = arith.constant 0 : i32
          %dma_start3A_680 = tpu.memref_slice %arg3[%dma_start3A_679, %multiple_of3A_664] : memref<64x1000000xf32, #tpu.memory_space<hbm>> -> memref<64x128xf32, #tpu.memory_space<hbm>>
          tpu.enqueue_dma source(%dma_start3A_680 : memref<64x128xf32, #tpu.memory_space<hbm>>) target(%arg14 : memref<64x128xf32, #tpu.memory_space<vmem>>) target_semaphore(%dma_start3A_678 : memref<!tpu.dma_semaphore, #tpu.memory_space<semaphore_mem>>)
        } else {
        }
        %ge3A_670 = arith.constant 999936 : i32
        %ge3A_671 = arith.cmpi sge, %add3A_635, %ge3A_670 : i32
        %convert_element_type3A_672 = arith.extui %ge3A_671 : i1 to i32
        %cond3A_673 = arith.constant 0 : i32
        %cond3A_674 = arith.cmpi ne, %convert_element_type3A_672, %cond3A_673 : i32
        scf.if %cond3A_674 {
          %dma_start3A = arith.constant 7 : i32
          %dma_start3A_675 = tpu.memref_slice %arg16[%dma_start3A] : memref<8x!tpu.dma_semaphore, #tpu.memory_space<semaphore_mem>> -> memref<1x!tpu.dma_semaphore, #tpu.memory_space<semaphore_mem>>
          %dma_start3A_676 = tpu.memref_squeeze %dma_start3A_675 : memref<1x!tpu.dma_semaphore, #tpu.memory_space<semaphore_mem>> -> memref<!tpu.dma_semaphore, #tpu.memory_space<semaphore_mem>>
          tpu.enqueue_dma source(%arg4 : memref<64x128xf32, #tpu.memory_space<hbm>>) target(%arg14 : memref<64x128xf32, #tpu.memory_space<vmem>>) target_semaphore(%dma_start3A_676 : memref<!tpu.dma_semaphore, #tpu.memory_space<semaphore_mem>>)
        } else {
        }
      } else {
      }
    }
    %scan3A_334 = arith.constant 64 : i32
    %get3A_335 = arith.constant 0 : i32
    %get3A_336 = arith.index_cast %get3A_335 : i32 to index
    %get3A_337 = arith.constant 0 : index
    %get3A_338 = tpu.vector_load %arg15[%get3A_336, %get3A_337] {strides = array<i32>} : memref<64x512xf32, #tpu.memory_space<vmem>>, vector<16xf32>,
    %bitcast3A = vector.bitcast %get3A_338 : vector<16xf32> to vector<16xi32>
    %slice3A_339 = vector.extract_strided_slice %bitcast3A {offsets = [0], sizes = [1], strides = [1]} : vector<16xi32> to vector<1xi32>
    %squeeze3A_340 = vector.extract %slice3A_339[0] : i32 from vector<1xi32>
    %and3A_341 = arith.constant 0 : i32
    %and3A_342 = arith.andi %squeeze3A_340, %and3A_341 : i32
    %add3A_343 = arith.addi %mul3A_2, %and3A_342 : i32
    %multiple_of3A_344 = tpu.assume_multiple %add3A_343, 128 : i32
    "tpu.region"() ({
      %run_scoped3A = tpu.sem_alloc : memref<!tpu.dma_semaphore, #tpu.memory_space<semaphore_mem>>
      %dma_start3A = arith.constant 0 : i32
      %dma_start3A_345 = tpu.memref_slice %arg5[%dma_start3A, %multiple_of3A_344] : memref<64x16384xf32, #tpu.memory_space<hbm>> -> memref<64x512xf32, #tpu.memory_space<hbm>>
      %dma_start3A_346 = arith.constant 0 : i32
      %dma_start3A_347 = tpu.memref_slice %arg5[%dma_start3A_346, %multiple_of3A_344] : memref<64x16384xf32, #tpu.memory_space<hbm>> -> memref<64x512xf32, #tpu.memory_space<hbm>>
      tpu.enqueue_dma source(%arg15 : memref<64x512xf32, #tpu.memory_space<vmem>>) target(%dma_start3A_347 : memref<64x512xf32, #tpu.memory_space<hbm>>) target_semaphore(%run_scoped3A : memref<!tpu.dma_semaphore, #tpu.memory_space<semaphore_mem>>)
      %dma_wait3A = arith.constant 0 : i32
      %dma_wait3A_348 = tpu.memref_slice %arg5[%dma_wait3A, %multiple_of3A_344] : memref<64x16384xf32, #tpu.memory_space<hbm>> -> memref<64x512xf32, #tpu.memory_space<hbm>>
      %dma_wait3A_349 = arith.constant 0 : i32
      %dma_wait3A_350 = tpu.memref_slice %arg5[%dma_wait3A_349, %multiple_of3A_344] : memref<64x16384xf32, #tpu.memory_space<hbm>> -> memref<64x512xf32, #tpu.memory_space<hbm>>
      tpu.wait_dma2 semaphore(%run_scoped3A : memref<!tpu.dma_semaphore, #tpu.memory_space<semaphore_mem>>) src(%arg15 : memref<64x512xf32, #tpu.memory_space<vmem>>) dst(%dma_wait3A_350 : memref<64x512xf32, #tpu.memory_space<hbm>>)
      tpu.yield
    }) : () -> ()
    return
  }
}

</mosaic_0001>

<sc_bundles>
// kernel: kernel.3.cloned.1.call-start
scs
__scs_entry_jumppad:
0x0: {  	(pc) =	sbr.rel $0x88, $3  }
0x1: {  	(tag) =	ssettag $0x0;
	lr =	simm.s32 $0x1  }
0x2: {  	[smem:$0x3F9F] =	sst lr;
	_ =	strace $0xD0000000  }
0x3: {  	_ = 	snop  }
0x4: {  	_ = 	snop  }
0x5: {  	_ = 	snop  }
0x6: {  	_ = 	snop  }
0x7: {  	_ = 	snop  }
__scs_overlays_trampoline_lowered:
0x8: {  	[smem:$0x3FAE] =	sst s0  }
0x9: {  	[smem:$0x3FAF] =	sst s1  }
0xa: {  	[smem:$0x3FB0] =	sst s2  }
0xb: {  	[smem:$0x3FB1] =	sst s3  }
0xc: {  	[smem:$0x3FB2] =	sst s4  }
0xd: {  	[smem:$0x3FB3] =	sst s5  }
0xe: {  	[smem:$0x3FB4] =	sst s6  }
0xf: {  	[smem:$0x3FB5] =	sst s7  }
0x10: {  	[smem:$0x3FB6] =	sst s8  }
0x11: {  	[smem:$0x3FB7] =	sst s9;
	s0 =	simm.s32 @!p0 $0x0  }
0x12: {  	s1 =	sld [smem:$0x3F9D];
	s0 =	simm.s32 @p0 $0x1  }
0x13: {  	[smem:$0x3FB8] =	sst s0;
	s0 =	simm.s32 @!p1 $0x0  }
0x14: {  	s2 =	sld [smem:$0x3F9C];
	s0 =	simm.s32 @p1 $0x1  }
0x15: {  	[smem:$0x3FB9] =	sst s0;
	s0 =	simm.s32 @!p2 $0x0  }
0x16: {  	s3 =	sld [smem:$0x3FDB];
	s0 =	simm.s32 @p2 $0x1  }
0x17: {  	s4 =	simm.s32 $0x1BF5;
	[smem:$0x3FBB] =	sst s0  }
0x18: {  	s0 =	sld [smem:$0x3F9E];
	_ =	swait.ge [sflag:s4], $0x0  }
0x19: {  	s7 =	sld [smem:$0x3F9F]  }
0x1a: {  	s8 =	sadd.s32 $0xFFFFE003, lr  }
0x1b: {  	s9 =	sadd.s32 $0xFFFFFEF7, lr;
	s5 =	simm.s32 $0xFFFFFFFF;
	p2 =	slt.u32 s8, $0xFFFFF086  }
0x1c: {  	p1 =	slt.u32 s9, $0xF7A;
	s5 =	simm.s32 @!p2 $0x0  }
0x1d: {  	s5 =	simm.s32 @p1 $0x1;
	p0 =	seq.s32 s7, s2  }
0x1e: {  	s7 =	smul.u32 @!p0 $0xF7A, s2;
	p2 =	seq.s32 @!p0 s5, $0x0  }
0x1f: {  	s9 =	smul.u32 $0xF7A, s1;
	s8 =	simm.s32 @!p0 $0x1BF5;
	p2 =	por !p2, p0  }
0x20: {  	[sflag:s8] =	ssyncset.s32 @!p0 $0xFFFFF086;
	s6 =	sadd.s32 @!p0 s3, s7;
	s7 =	simm.s32 @!p0 $0x108  }
0x21: {  	s3 =	sadd.s32 s3, s9;
	s6 =	sadd.s32 @!p0 $0x88, s6;
	s7 =	simm.s32 @p2 $0x1082  }
0x22: {  	[simem:s7], [sflag:s8] =	dma.local @!p0 [hbm:s6], $0xF7A  }
0x23: {  	s9 =	sor.u32 $0xD0000000, s2;
	s6 =	simm.s32 $0x108;
	_ =	swait.ge @!p0 [sflag:s8], $0x0  }
0x24: {  	s3 =	sadd.s32 $0x88, s3;
	s6 =	simm.s32 @!p1 $0x1082;
	[sflag:s4] =	ssyncset.s32 $0xFFFFF086  }
0x25: {  	[simem:s6], [sflag:s4] =	dma.local [hbm:s3], $0xF7A  }
0x26: {  	[smem:$0x3F9F] =	sst s1;
	(tag) =	ssettag s2;
	_ =	strace s9  }
0x27: {  	s1 =	sld [smem:$0x3FAF]  }
0x28: {  	s2 =	sld [smem:$0x3FB0]  }
0x29: {  	s4 =	sld [smem:$0x3FB2]  }
0x2a: {  	p0 =	seq.s32 s5, $0x0;
	s5 =	sld [smem:$0x3FB3]  }
0x2b: {  	s6 =	sld [smem:$0x3FB4]  }
0x2c: {  	s7 =	sld [smem:$0x3FB5]  }
0x2d: {  	s3 =	simm.s32 $0x108;
	s8 =	sld [smem:$0x3FB6]  }
0x2e: {  	s3 =	simm.s32 @!p0 $0x1082;
	s9 =	sld [smem:$0x3FB7]  }
0x2f: {  	lr =	sadd.s32 s0, s3;
	s0 =	sld [smem:$0x3FAE]  }
0x30: {  	s3 =	sld [smem:$0x3FB1]  }
0x31: {  	[smem:$0x3FBA] =	sst s10  }
0x32: {  	s10 =	sld [smem:$0x3FB8];
	_ =	sdelay $0x3  }
0x33: {  	p0 =	seq.s32 s10, $0x1;
	s10 =	sld [smem:$0x3FBA];
	_ =	sdelay $0x3  }
0x34: {  	[smem:$0x3FBA] =	sst s10  }
0x35: {  	s10 =	sld [smem:$0x3FB9];
	_ =	sdelay $0x3  }
0x36: {  	p1 =	seq.s32 s10, $0x1;
	s10 =	sld [smem:$0x3FBA];
	_ =	sdelay $0x3  }
0x37: {  	[smem:$0x3FBA] =	sst s10  }
0x38: {  	s10 =	sld [smem:$0x3FBB]  }
0x39: {  	_ = 	snop;
	(pc) =	sbr.ind lr, $3  }
0x3a: {  	_ = 	snop  }
0x3b: {  	_ = 	snop  }
0x3c: {  	p2 =	seq.s32 s10, $0x1;
	s10 =	sld [smem:$0x3FBA]  }
0x3d: {  	_ =	shalt  }
0x3e: {  	_ =	shalt  }
0x3f: {  	_ =	shalt  }
0x40: {  	_ =	shalt  }
0x41: {  	_ =	shalt  }
0x42: {  	_ =	shalt  }
0x43: {  	_ =	shalt  }
0x44: {  	_ =	shalt  }
0x45: {  	_ =	shalt  }
0x46: {  	_ =	shalt  }
0x47: {  	_ =	shalt  }
0x48: {  	_ =	shalt  }
0x49: {  	_ =	shalt  }
0x4a: {  	_ =	shalt  }
0x4b: {  	_ =	shalt  }
0x4c: {  	_ =	shalt  }
0x4d: {  	_ =	shalt  }
0x4e: {  	_ =	shalt  }
0x4f: {  	_ =	shalt  }
0x50: {  	_ =	shalt  }
0x51: {  	_ =	shalt  }
0x52: {  	_ =	shalt  }
0x53: {  	_ =	shalt  }
0x54: {  	_ =	shalt  }
0x55: {  	_ =	shalt  }
0x56: {  	_ =	shalt  }
0x57: {  	_ =	shalt  }
0x58: {  	_ =	shalt  }
0x59: {  	_ =	shalt  }
0x5a: {  	_ =	shalt  }
0x5b: {  	_ =	shalt  }
0x5c: {  	_ =	shalt  }
0x5d: {  	_ =	shalt  }
0x5e: {  	_ =	shalt  }
0x5f: {  	_ =	shalt  }
0x60: {  	_ =	shalt  }
0x61: {  	_ =	shalt  }
0x62: {  	_ =	shalt  }
0x63: {  	_ =	shalt  }
0x64: {  	_ =	shalt  }
0x65: {  	_ =	shalt  }
0x66: {  	_ =	shalt  }
0x67: {  	_ =	shalt  }
0x68: {  	_ =	shalt  }
0x69: {  	_ =	shalt  }
0x6a: {  	_ =	shalt  }
0x6b: {  	_ =	shalt  }
0x6c: {  	_ =	shalt  }
0x6d: {  	_ =	shalt  }
0x6e: {  	_ =	shalt  }
0x6f: {  	_ =	shalt  }
0x70: {  	_ =	shalt  }
0x71: {  	_ =	shalt  }
0x72: {  	_ =	shalt  }
0x73: {  	_ =	shalt  }
0x74: {  	_ =	shalt  }
0x75: {  	_ =	shalt  }
0x76: {  	_ =	shalt  }
0x77: {  	_ =	shalt  }
0x78: {  	_ =	shalt  }
0x79: {  	_ =	shalt  }
0x7a: {  	_ =	shalt  }
0x7b: {  	_ =	shalt  }
0x7c: {  	_ =	shalt  }
0x7d: {  	_ =	shalt  }
0x7e: {  	_ =	shalt  }
0x7f: {  	_ =	shalt  }
0x80: {  	_ =	shalt  }
0x81: {  	_ =	shalt  }
0x82: {  	_ =	shalt  }
0x83: {  	_ =	shalt  }
0x84: {  	_ =	shalt  }
0x85: {  	_ =	shalt  }
0x86: {  	_ =	shalt  }
0x87: {  	_ =	shalt  }
.Lfunc_end0:
.L_simem_size_0:
called_computation_lowered:
.L_overlay_start_0:
0x88: {  	s2 =	sld [smem:$0x3FD9]  }
0x89: {  	s3 =	sld [smem:$0x3FFE];
	_ =	sdelay $0x1  }
0x8a: {  	s1 =	srdreg.scid  }
0x8b: {  	s0 =	sand.u32 $0x1, s1  }
0x8c: {  	s17 =	sshll.u32 s0, $0xA;
	s2 =	sadd.s32 s3, s2  }
0x8d: {  	s2 =	sadd.s32 s2, s17  }
0x8e: {  	[smem:$0x3FC6] =	sst s2  }
0x8f: {  	_ = 	snop  }
0x90: {  	s2 =	sld [smem:$0x3FC9]  }
0x91: {  	s18 =	sld [smem:$0x3FC8]  }
0x92: {  	s4 =	sld [smem:$0x3FD0];
	(tm) =	ssettm $0x1  }
0x93: {  	s5 =	sld [smem:$0x3FFB];
	_ =	sdelay $0x3  }
0x94: {  	_ =	strace s5  }
0x95: {  	s5 =	sld [smem:$0x3FFC];
	_ =	sdelay $0x3  }
0x96: {  	_ =	strace s5  }
0x97: {  	s5 =	sld [smem:$0x3FFD];
	_ =	sdelay $0x3  }
0x98: {  	_ =	strace s5  }
0x99: {  	_ =	strace $0x8FFFFFFF  }
0x9a: {  	s19 =	sld [smem:$0x3FDB];
	_ =	sdelay $0x1  }
0x9b: {  	s6 =	simm.s32 $_scs_section_size  }
0x9c: {  	s7 =	simm.s32 $_size__tile_overlayer_lowered;
	s8 =	simm.s32 $_tile_overlayer_lowered  }
0x9d: {  	s22 =	simm.s32 $0x1BFF;
	s21 =	sshll.u32 s8, $0x1;
	s5 =	sadd.s32 s6, s19  }
0x9e: {  	s9 =	simm.s32 $0x0;
	s20 =	sshll.u32 s7, $0x1;
	s7 =	sadd.s32 s21, s5  }
0x9f: {  	[timem:s9], [sflag:s22] =	dma.local [hbm:s7], s20  }
0xa0: {  	_ =	swait.ge [sflag:s22], s20  }
0xa1: {  	s6 =	ssub.s32 $0x0, s20;
	[sflag:s22] =	ssyncset.done $0x0  }
0xa2: {  	[sflag:s22] =	ssyncadd.s32 s6;
	_ =	sdelay $0x1  }
0xa3: {  	s23 =	simm.s32 $0x1B8B  }
0xa4: {  	_ =	swait.ge [sflag:s23], $0x1  }
0xa5: {  	[sflag:s23] =	ssyncset.done $0x0  }
0xa6: {  	s25 =	simm.s32 $0x1B8E;
	s24 =	sld [smem:$0x3FFE];
	[sflag:s23] =	ssyncadd.s32 $0xFFFFFFFF  }
0xa7: {  	s26 =	simm.s32 $execute0_lowered;
	[smem:$0x3FD2] =	sst s25  }
0xa8: {  	s7 =	sshll.u32 s26, $0x1;
	_ =	strace $0x80000046;
	[dreg:$0x1] =	wrdreg $0xFFFFFFFF  }
0xa9: {  	s28 =	simm.s32 $_size_execute0_lowered;
	s5 =	sadd.s32 s5, s7;
	[dreg:$0x0] =	wrdreg $0x0  }
0xaa: {  	s7 =	sshll.u32 s28, $0x1;
	[dreg:$0x2] =	wrdreg s5  }
0xab: {  	[dreg:$0x3] =	wrdreg s7  }
0xac: {  	[dreg:$0x4] =	wrdreg $0xC0  }
0xad: {  	_ =	task [dreg:s9], $0x5FFFF  }
0xae: {  	[dreg:$0x1] =	wrdreg $0xFFFFFFFF  }
0xaf: {  	[dreg:$0x0] =	wrdreg $0x60  }
0xb0: {  	[dreg:$0x2] =	wrdreg s2  }
0xb1: {  	[dreg:$0x3] =	wrdreg s18  }
0xb2: {  	[dreg:$0x4] =	wrdreg s24  }
0xb3: {  	[dreg:$0x5] =	wrdreg s4  }
0xb4: {  	[dreg:$0x6] =	wrdreg $0x9  }
0xb5: {  	_ =	task.clear_ibuf [dreg:s9], $0x7FFFF;
	_ =	strace $0x90000046  }
0xb6: {  	s29 =	simm.s32 $0x9;
	_ =	strace $0x80000048  }
0xb7: {  	_ =	swait.ge [sflag:s29], $0x1  }
0xb8: {  	[sflag:s29] =	ssyncadd.s32 $0xFFFFFFFF  }
0xb9: {  	_ =	strace $0x90000048  }
0xba: {  	_ =	sfence  }
0xbb: {  	s30 =	sld [smem:$0x0];
	_ =	sdelay $0x2  }
0xbc: {  	s31 =	sshll.u32 s1, $0xD;
	s1 =	sshrl.u32 s1, $0x2  }
0xbd: {  	s3 =	sand.u32 $0x4000, s31;
	s1 =	sadd.s32 s1, s30  }
0xbe: {  	s0 =	sor.u32 s3, s0;
	s1 =	sshll.u32 s1, $0x11  }
0xbf: {  	s0 =	sor.u32 s1, s0  }
0xc0: {  	s0 =	sadd.s32 $0x8F2B, s0  }
0xc1: {  	[sflag:s0] =	ssyncadd.remote.s32 $0x1  }
0xc2: {  	_ =	sfence.sel $0xFFFF  }
0xc3: {  	[dreg:$0x0] =	wrdreg $0xFFFFFFFF;
	(pc) =	sbr.abs _section_cstart, $3  }
0xc4: {  	[dreg:$0x1] =	wrdreg $0xFFFFFFFF  }
0xc5: {  	_ =	task.clear_ibuf [dreg:s9], $0x2FFFF;
	_ =	strace $0x9FFFFFFF  }
0xc6: {  	(tm) =	ssettm $0x7FFFFFFF  }
0xc7: {  	_ =	shalt  }
tec
execute0_lowered:
.L_overlay_start_1:
0x0: {  	(tag) =	ssettag $0x1  }
0x1: {  	v0 =	vimm.s32 $0x1380;
	vm14 =	vcmask $0x300;
	vm13 =	vcmask $0x704  }
0x2: {  	vm12 =	vcmask $0xB08;
	vm11 =	vcmask $0xF0C;
	vm10 =	vcmask $0x1310  }
0x3: {  	vm9 =	vcmask $0x1714;
	vm8 =	vcmask $0x1B18;
	vm7 =	vcmask $0x1F1C  }
0x4: {  	vm6 =	vcmask $0x2320;
	vm5 =	vcmask $0x2724;
	vm4 =	vcmask $0x2B28  }
0x5: {  	vm3 =	vcmask $0x2F2C;
	v1 =	vlaneseq.u32;
	vm2 =	vcmask $0x3330  }
0x6: {  	vm1 =	vcmask $0x3734;
	vm0 =	vcmask $0x3B38;
	v3 =	vimm.s32 $0x3380  }
0x7: {  	v4 =	vimm.s32 $0x5380;
	v5 =	vimm.s32 $0x7380;
	v0 =	vsel vm14, $0x0, v0  }
0x8: {  	v3 =	vsel vm14, $0x2000, v3;
	v4 =	vsel vm14, $0x4000, v4;
	v5 =	vsel vm14, $0x6000, v5  }
0x9: {  	v0 =	vsel vm13, $0x80, v0;
	v3 =	vsel vm13, $0x2080, v3;
	v4 =	vsel vm13, $0x4080, v4  }
0xa: {  	v5 =	vsel vm13, $0x6080, v5;
	v0 =	vsel vm12, $0x100, v0;
	v3 =	vsel vm12, $0x2100, v3  }
0xb: {  	v4 =	vsel vm12, $0x4100, v4;
	v5 =	vsel vm12, $0x6100, v5;
	v0 =	vsel vm11, $0x180, v0  }
0xc: {  	v3 =	vsel vm11, $0x2180, v3;
	v4 =	vsel vm11, $0x4180, v4;
	v5 =	vsel vm11, $0x6180, v5  }
0xd: {  	s5 =	rddreg [dreg:$0x0];
	v0 =	vsel vm10, $0x200, v0;
	v3 =	vsel vm10, $0x2200, v3;
	v4 =	vsel vm10, $0x4200, v4  }
0xe: {  	s0 =	rddreg [dreg:$0x1];
	v5 =	vsel vm10, $0x6200, v5;
	v0 =	vsel vm9, $0x280, v0;
	v3 =	vsel vm9, $0x2280, v3  }
0xf: {  	s4 =	rddreg [dreg:$0x2];
	v4 =	vsel vm9, $0x4280, v4;
	v5 =	vsel vm9, $0x6280, v5;
	v0 =	vsel vm8, $0x300, v0  }
0x10: {  	s6 =	rddreg [dreg:$0x3];
	s1 =	simm.s32 $0x0;
	v3 =	vsel vm8, $0x2300, v3;
	v4 =	vsel vm8, $0x4300, v4;
	v5 =	vsel vm8, $0x6300, v5  }
0x11: {  	s7 =	srdreg.scid;
	s31 =	stileid.u32;
	s11 =	simm.s32 $0x10280;
	v0 =	vsel vm7, $0x380, v0;
	v3 =	vsel vm7, $0x2380, v3;
	v4 =	vsel vm7, $0x4380, v4  }
0x12: {  	s12 =	simm.s32 $0x2;
	s13 =	simm.s32 $0x2280;
	s14 =	simm.s32 $0x3;
	v5 =	vsel vm7, $0x6380, v5;
	v0 =	vsel vm6, $0x1000, v0;
	v3 =	vsel vm6, $0x3000, v3  }
0x13: {  	s15 =	simm.s32 $0x4280;
	s16 =	simm.s32 $0x4;
	s17 =	simm.s32 $0x6280;
	v4 =	vsel vm6, $0x5000, v4;
	v5 =	vsel vm6, $0x7000, v5;
	v0 =	vsel vm5, $0x1080, v0  }
0x14: {  	s18 =	simm.s32 $0x5;
	s19 =	simm.s32 $0x8280;
	s20 =	simm.s32 $0x6;
	v3 =	vsel vm5, $0x3080, v3;
	v4 =	vsel vm5, $0x5080, v4;
	v5 =	vsel vm5, $0x7080, v5  }
0x15: {  	s21 =	simm.s32 $0xA280;
	s22 =	simm.s32 $0x7;
	s23 =	simm.s32 $0xC280;
	v0 =	vsel vm4, $0x1100, v0;
	v3 =	vsel vm4, $0x3100, v3;
	v4 =	vsel vm4, $0x5100, v4  }
0x16: {  	s24 =	simm.s32 $0x8;
	s25 =	simm.s32 $0xE280;
	s29 =	simm.s32 $0x0;
	v5 =	vsel vm4, $0x7100, v5;
	v2 =	vsel vm3, $0x1180, v0;
	v0 =	vmul.u32 $0x80, v1  }
0x17: {  	[smem:$0x7FF] =	sst s1;
	s7 =	sand.u32 $0x1, s7;
	s9 =	sshll.u32 s31, $0xA;
	v3 =	vsel vm3, $0x3180, v3;
	v4 =	vsel vm3, $0x5180, v4;
	v5 =	vsel vm3, $0x7180, v5  }
.Ltmp0:
0x18: {  	s8 =	ssub.s32 $0x2, s7;
	s7 =	sshll.u32 s7, $0x9;
	v1 =	vsel vm2, $0x1200, v2;
	v3 =	vsel vm2, $0x3200, v3;
	v6 =	vsel vm2, $0x5200, v4;
	(pc) =	sbr.rel .LBB2_1-.Ltmp0, $4  }
0x19: {  	s4 =	sadd.s32 $0x400, s4;
	s10 =	sshrl.u32 s8, $0x1;
	s7 =	sor.u32 s7, s9;
	v5 =	vsel vm2, $0x7200, v5;
	v1 =	vsel vm1, $0x1280, v1;
	v2 =	vor.u32 $0x800, v0  }
0x1a: {  	_ =	strace $0x80000047;
	s8 =	ssub.s32 s8, s10;
	s9 =	sshrl.u32 s7, $0x3;
	v3 =	vsel vm1, $0x3280, v3;
	v4 =	vor.u32 $0x1000, v0;
	v6 =	vsel vm1, $0x5280, v6  }
0x1b: {  	s6 =	sadd.s32 s6, s7;
	s10 =	simm.s32 $0x280;
	s5 =	sadd.s32 s5, s9;
	v7 =	vsel vm1, $0x7280, v5;
	v1 =	vsel vm0, $0x1300, v1;
	v3 =	vsel vm0, $0x3300, v3  }
0x1c: {  	s7 =	smax.u32 s8, $0x1;
	s8 =	simm.s32 $0x9;
	s9 =	simm.s32 $0x1;
	v5 =	vsel vm0, $0x5300, v6;
	v6 =	vor.u32 $0x1800, v0;
	v7 =	vsel vm0, $0x7300, v7  }
.LBB2_4:
0x1d: {  	s29 =	sadd.s32 $0x1, s29  }
0x1e: {  	p0 =	sne.s32 s29, s7  }
.Ltmp1:
0x1f: {  	s1 =	simm.s32 $0x1000;
	s2 =	simm.s32 $0x20000;
	(pc) =	sbr.rel @!p0 .LBB2_5-.Ltmp1, $4  }
0x20: {  	[hbm4b:s6+s1] =	stream.strided.scatter [tilespmem:s11], [sflag:$0x9], $0x8000, s2, s1, $0x38;
	[tilespmem:$0x18280] =	vst v63  }
0x21: {  	_ =	swait.ge [sflag:s8], $0x8000  }
0x22: {  	[sflag:s8] =	ssyncset.done $0x0  }
0x23: {  	[sflag:s8] =	ssyncadd.s32 $0xFFFF8000  }
.LBB2_1:
0x24: {  	s1 =	simm.s32 $0x0  }
0x25: {  	[tilespmem:s1], [sflag:$0x9] =	stream.linear.gather [hbm4b:s5+s1], $0x200, $0x38;
	[tilespmem:$0x18280] =	vst v63  }
0x26: {  	_ =	swait.ge [sflag:s8], $0x200  }
0x27: {  	[sflag:s8] =	ssyncset.done $0x0  }
0x28: {  	[sflag:s8] =	ssyncadd.s32 $0xFFFFFE00  }
0x29: {  	v8 =	vld [tilespmem:$0x0];
	_ =	sdelay $0x4  }
0x2a: {  	(v2sf) =	vpush v8, $0x0;
	_ =	sdelay $0xe  }
0x2b: {  	s30 =	spop (v2sf);
	(v2sf) =	vpush v8, $0x1  }
0x2c: {  	p0 =	sgt.s32 s30, $0xF41FF  }
0x2d: {  	s31 =	simm.s32 @p0 $0x0;
	s1 =	simm.s32 @p0 $0x280  }
0x2e: {  	[tilespmem:s1], [sflag:$0x1] =	stream.linear.gather @p0 [hbm4b:s4+s31], $0x2000, $0x38;
	[tilespmem:$0x18280] =	vst v63  }
0x2f: {  	s1 =	sand.u32 @!p0 $0x7F, s30  }
0x30: {  	p1 =	slt.s32 @!p0 s30, $0x1;
	p2 =	sne.s32 @!p0 s1, $0x0  }
0x31: {  	s1 =	sshra.s32 @!p0 s30, $0x1F;
	p1 =	por @!p0 !p1, !p2  }
0x32: {  	s1 =	sshrl.u32 @!p0 s1, $0x19;
	p1 =	por @!p0 !p1, !p1  }
0x33: {  	s1 =	sadd.s32 @!p0 s1, s30;
	s30 =	simm.s32 @!p0 $0x1;
	p1 =	por !p1, p0  }
0x34: {  	s1 =	sshrl.u32 @!p0 s1, $0x7;
	s30 =	simm.s32 @p1 $0x0  }
0x35: {  	s1 =	ssub.s32 @!p0 s1, s30  }
0x36: {  	s1 =	sshll.u32 @!p0 s1, $0x7  }
0x37: {  	s3 =	simm.s32 @!p0 $0x280;
	s1 =	sand.u32 @!p0 $0x1FFFFF80, s1  }
0x38: {  	s31 =	simm.s32 @!p0 $0x7A1400;
	s30 =	simm.s32 @!p0 $0x400;
	s1 =	sadd.s32 @!p0 s0, s1  }
0x39: {  	[tilespmem:s3], [sflag:$0x1] =	stream.strided.gather @!p0 [hbm4b:s1+s30], $0x2000, s31, s30, $0x38;
	[tilespmem:$0x18280] =	vst v63  }
0x3a: {  	s1 =	spop (v2sf);
	(v2sf) =	vpush v8, $0x2  }
0x3b: {  	p0 =	sgt.s32 s1, $0xF41FF  }
0x3c: {  	s3 =	simm.s32 @p0 $0x0;
	s30 =	simm.s32 @p0 $0x2280  }
0x3d: {  	[tilespmem:s30], [sflag:$0x2] =	stream.linear.gather @p0 [hbm4b:s4+s3], $0x2000, $0x38;
	[tilespmem:$0x18280] =	vst v63  }
0x3e: {  	s3 =	sand.u32 @!p0 $0x7F, s1  }
0x3f: {  	p1 =	slt.s32 @!p0 s1, $0x1;
	p2 =	sne.s32 @!p0 s3, $0x0  }
0x40: {  	s3 =	sshra.s32 @!p0 s1, $0x1F;
	p1 =	por @!p0 !p1, !p2  }
0x41: {  	s3 =	sshrl.u32 @!p0 s3, $0x19;
	p1 =	por @!p0 !p1, !p1  }
0x42: {  	s1 =	sadd.s32 @!p0 s3, s1;
	s3 =	simm.s32 @!p0 $0x1;
	p1 =	por !p1, p0  }
0x43: {  	s1 =	sshrl.u32 @!p0 s1, $0x7;
	s3 =	simm.s32 @p1 $0x0  }
0x44: {  	s1 =	ssub.s32 @!p0 s1, s3  }
0x45: {  	s1 =	sshll.u32 @!p0 s1, $0x7  }
0x46: {  	s31 =	simm.s32 @!p0 $0x2280;
	s1 =	sand.u32 @!p0 $0x1FFFFF80, s1  }
0x47: {  	s30 =	simm.s32 @!p0 $0x7A1400;
	s3 =	simm.s32 @!p0 $0x400;
	s1 =	sadd.s32 @!p0 s0, s1  }
0x48: {  	[tilespmem:s31], [sflag:$0x2] =	stream.strided.gather @!p0 [hbm4b:s1+s3], $0x2000, s30, s3, $0x38;
	[tilespmem:$0x18280] =	vst v63  }
0x49: {  	s1 =	spop (v2sf);
	(v2sf) =	vpush v8, $0x3  }
0x4a: {  	p0 =	sgt.s32 s1, $0xF41FF  }
0x4b: {  	s3 =	simm.s32 @p0 $0x0;
	s30 =	simm.s32 @p0 $0x4280  }
0x4c: {  	[tilespmem:s30], [sflag:$0x3] =	stream.linear.gather @p0 [hbm4b:s4+s3], $0x2000, $0x38;
	[tilespmem:$0x18280] =	vst v63  }
0x4d: {  	s3 =	sand.u32 @!p0 $0x7F, s1  }
0x4e: {  	p1 =	slt.s32 @!p0 s1, $0x1;
	p2 =	sne.s32 @!p0 s3, $0x0  }
0x4f: {  	s3 =	sshra.s32 @!p0 s1, $0x1F;
	p1 =	por @!p0 !p1, !p2  }
0x50: {  	s3 =	sshrl.u32 @!p0 s3, $0x19;
	p1 =	por @!p0 !p1, !p1  }
0x51: {  	s1 =	sadd.s32 @!p0 s3, s1;
	s3 =	simm.s32 @!p0 $0x1;
	p1 =	por !p1, p0  }
0x52: {  	s1 =	sshrl.u32 @!p0 s1, $0x7;
	s3 =	simm.s32 @p1 $0x0  }
0x53: {  	s1 =	ssub.s32 @!p0 s1, s3  }
0x54: {  	s1 =	sshll.u32 @!p0 s1, $0x7  }
0x55: {  	s31 =	simm.s32 @!p0 $0x4280;
	s1 =	sand.u32 @!p0 $0x1FFFFF80, s1  }
0x56: {  	s30 =	simm.s32 @!p0 $0x7A1400;
	s3 =	simm.s32 @!p0 $0x400;
	s1 =	sadd.s32 @!p0 s0, s1  }
0x57: {  	[tilespmem:s31], [sflag:$0x3] =	stream.strided.gather @!p0 [hbm4b:s1+s3], $0x2000, s30, s3, $0x38;
	[tilespmem:$0x18280] =	vst v63  }
0x58: {  	s1 =	spop (v2sf);
	(v2sf) =	vpush v8, $0x4  }
0x59: {  	p0 =	sgt.s32 s1, $0xF41FF  }
0x5a: {  	s3 =	simm.s32 @p0 $0x0;
	s30 =	simm.s32 @p0 $0x6280  }
0x5b: {  	[tilespmem:s30], [sflag:$0x4] =	stream.linear.gather @p0 [hbm4b:s4+s3], $0x2000, $0x38;
	[tilespmem:$0x18280] =	vst v63  }
0x5c: {  	s3 =	sand.u32 @!p0 $0x7F, s1  }
0x5d: {  	p1 =	slt.s32 @!p0 s1, $0x1;
	p2 =	sne.s32 @!p0 s3, $0x0  }
0x5e: {  	s3 =	sshra.s32 @!p0 s1, $0x1F;
	p1 =	por @!p0 !p1, !p2  }
0x5f: {  	s3 =	sshrl.u32 @!p0 s3, $0x19;
	p1 =	por @!p0 !p1, !p1  }
0x60: {  	s1 =	sadd.s32 @!p0 s3, s1;
	s3 =	simm.s32 @!p0 $0x1;
	p1 =	por !p1, p0  }
0x61: {  	s1 =	sshrl.u32 @!p0 s1, $0x7;
	s3 =	simm.s32 @p1 $0x0  }
0x62: {  	s1 =	ssub.s32 @!p0 s1, s3  }
0x63: {  	s1 =	sshll.u32 @!p0 s1, $0x7  }
0x64: {  	s31 =	simm.s32 @!p0 $0x6280;
	s1 =	sand.u32 @!p0 $0x1FFFFF80, s1  }
0x65: {  	s30 =	simm.s32 @!p0 $0x7A1400;
	s3 =	simm.s32 @!p0 $0x400;
	s1 =	sadd.s32 @!p0 s0, s1  }
0x66: {  	[tilespmem:s31], [sflag:$0x4] =	stream.strided.gather @!p0 [hbm4b:s1+s3], $0x2000, s30, s3, $0x38;
	[tilespmem:$0x18280] =	vst v63  }
0x67: {  	s1 =	spop (v2sf);
	(v2sf) =	vpush v8, $0x5  }
0x68: {  	p0 =	sgt.s32 s1, $0xF41FF  }
0x69: {  	s3 =	simm.s32 @p0 $0x0;
	s30 =	simm.s32 @p0 $0x8280  }
0x6a: {  	[tilespmem:s30], [sflag:$0x5] =	stream.linear.gather @p0 [hbm4b:s4+s3], $0x2000, $0x38;
	[tilespmem:$0x18280] =	vst v63  }
0x6b: {  	s3 =	sand.u32 @!p0 $0x7F, s1  }
0x6c: {  	p1 =	slt.s32 @!p0 s1, $0x1;
	p2 =	sne.s32 @!p0 s3, $0x0  }
0x6d: {  	s3 =	sshra.s32 @!p0 s1, $0x1F;
	p1 =	por @!p0 !p1, !p2  }
0x6e: {  	s3 =	sshrl.u32 @!p0 s3, $0x19;
	p1 =	por @!p0 !p1, !p1  }
0x6f: {  	s1 =	sadd.s32 @!p0 s3, s1;
	s3 =	simm.s32 @!p0 $0x1;
	p1 =	por !p1, p0  }
0x70: {  	s1 =	sshrl.u32 @!p0 s1, $0x7;
	s3 =	simm.s32 @p1 $0x0  }
0x71: {  	s1 =	ssub.s32 @!p0 s1, s3  }
0x72: {  	s1 =	sshll.u32 @!p0 s1, $0x7  }
0x73: {  	s31 =	simm.s32 @!p0 $0x8280;
	s1 =	sand.u32 @!p0 $0x1FFFFF80, s1  }
0x74: {  	s30 =	simm.s32 @!p0 $0x7A1400;
	s3 =	simm.s32 @!p0 $0x400;
	s1 =	sadd.s32 @!p0 s0, s1  }
0x75: {  	[tilespmem:s31], [sflag:$0x5] =	stream.strided.gather @!p0 [hbm4b:s1+s3], $0x2000, s30, s3, $0x38;
	[tilespmem:$0x18280] =	vst v63  }
0x76: {  	s1 =	spop (v2sf);
	(v2sf) =	vpush v8, $0x6  }
0x77: {  	p0 =	sgt.s32 s1, $0xF41FF  }
0x78: {  	s3 =	simm.s32 @p0 $0x0;
	s30 =	simm.s32 @p0 $0xA280  }
0x79: {  	[tilespmem:s30], [sflag:$0x6] =	stream.linear.gather @p0 [hbm4b:s4+s3], $0x2000, $0x38;
	[tilespmem:$0x18280] =	vst v63  }
0x7a: {  	s3 =	sand.u32 @!p0 $0x7F, s1  }
0x7b: {  	p1 =	slt.s32 @!p0 s1, $0x1;
	p2 =	sne.s32 @!p0 s3, $0x0  }
0x7c: {  	s3 =	sshra.s32 @!p0 s1, $0x1F;
	p1 =	por @!p0 !p1, !p2  }
0x7d: {  	s3 =	sshrl.u32 @!p0 s3, $0x19;
	p1 =	por @!p0 !p1, !p1  }
0x7e: {  	s1 =	sadd.s32 @!p0 s3, s1;
	s3 =	simm.s32 @!p0 $0x1;
	p1 =	por !p1, p0  }
0x7f: {  	s1 =	sshrl.u32 @!p0 s1, $0x7;
	s3 =	simm.s32 @p1 $0x0  }
0x80: {  	s1 =	ssub.s32 @!p0 s1, s3  }
0x81: {  	s1 =	sshll.u32 @!p0 s1, $0x7  }
0x82: {  	s31 =	simm.s32 @!p0 $0xA280;
	s1 =	sand.u32 @!p0 $0x1FFFFF80, s1  }
0x83: {  	s30 =	simm.s32 @!p0 $0x7A1400;
	s3 =	simm.s32 @!p0 $0x400;
	s1 =	sadd.s32 @!p0 s0, s1  }
0x84: {  	[tilespmem:s31], [sflag:$0x6] =	stream.strided.gather @!p0 [hbm4b:s1+s3], $0x2000, s30, s3, $0x38;
	[tilespmem:$0x18280] =	vst v63  }
0x85: {  	s1 =	spop (v2sf);
	(v2sf) =	vpush v8, $0x7  }
0x86: {  	p0 =	sgt.s32 s1, $0xF41FF  }
0x87: {  	s3 =	simm.s32 @p0 $0x0;
	s30 =	simm.s32 @p0 $0xC280  }
0x88: {  	[tilespmem:s30], [sflag:$0x7] =	stream.linear.gather @p0 [hbm4b:s4+s3], $0x2000, $0x38;
	[tilespmem:$0x18280] =	vst v63  }
0x89: {  	s3 =	sand.u32 @!p0 $0x7F, s1  }
0x8a: {  	p1 =	slt.s32 @!p0 s1, $0x1;
	p2 =	sne.s32 @!p0 s3, $0x0  }
0x8b: {  	s3 =	sshra.s32 @!p0 s1, $0x1F;
	p1 =	por @!p0 !p1, !p2  }
0x8c: {  	s3 =	sshrl.u32 @!p0 s3, $0x19;
	p1 =	por @!p0 !p1, !p1  }
0x8d: {  	s1 =	sadd.s32 @!p0 s3, s1;
	s3 =	simm.s32 @!p0 $0x1;
	p1 =	por !p1, p0  }
0x8e: {  	s1 =	sshrl.u32 @!p0 s1, $0x7;
	s3 =	simm.s32 @p1 $0x0  }
0x8f: {  	s1 =	ssub.s32 @!p0 s1, s3  }
0x90: {  	s1 =	sshll.u32 @!p0 s1, $0x7  }
0x91: {  	s31 =	simm.s32 @!p0 $0xC280;
	s1 =	sand.u32 @!p0 $0x1FFFFF80, s1  }
0x92: {  	s30 =	simm.s32 @!p0 $0x7A1400;
	s3 =	simm.s32 @!p0 $0x400;
	s1 =	sadd.s32 @!p0 s0, s1  }
0x93: {  	[tilespmem:s31], [sflag:$0x7] =	stream.strided.gather @!p0 [hbm4b:s1+s3], $0x2000, s30, s3, $0x38;
	[tilespmem:$0x18280] =	vst v63  }
0x94: {  	s1 =	spop (v2sf)  }
0x95: {  	p0 =	sgt.s32 s1, $0xF41FF  }
0x96: {  	s3 =	simm.s32 @p0 $0x0;
	s30 =	simm.s32 @p0 $0xE280  }
0x97: {  	[tilespmem:s30], [sflag:$0x8] =	stream.linear.gather @p0 [hbm4b:s4+s3], $0x2000, $0x38;
	[tilespmem:$0x18280] =	vst v63  }
0x98: {  	s3 =	sand.u32 @!p0 $0x7F, s1  }
0x99: {  	p1 =	slt.s32 @!p0 s1, $0x1;
	p2 =	sne.s32 @!p0 s3, $0x0  }
0x9a: {  	s3 =	sshra.s32 @!p0 s1, $0x1F;
	p1 =	por @!p0 !p1, !p2  }
0x9b: {  	s3 =	sshrl.u32 @!p0 s3, $0x19;
	p1 =	por @!p0 !p1, !p1  }
0x9c: {  	s1 =	sadd.s32 @!p0 s3, s1;
	s3 =	simm.s32 @!p0 $0x1;
	p1 =	por !p1, p0  }
0x9d: {  	s1 =	sshrl.u32 @!p0 s1, $0x7;
	s3 =	simm.s32 @p1 $0x0  }
0x9e: {  	s1 =	ssub.s32 @!p0 s1, s3  }
0x9f: {  	s1 =	sshll.u32 @!p0 s1, $0x7  }
0xa0: {  	s31 =	simm.s32 @!p0 $0xE280;
	s1 =	sand.u32 @!p0 $0x1FFFFF80, s1  }
0xa1: {  	s30 =	simm.s32 @!p0 $0x7A1400;
	s3 =	simm.s32 @!p0 $0x400;
	s1 =	sadd.s32 @!p0 s0, s1  }
0xa2: {  	[tilespmem:s31], [sflag:$0x8] =	stream.strided.gather @!p0 [hbm4b:s1+s3], $0x2000, s30, s3, $0x38;
	[tilespmem:$0x18280] =	vst v63  }
0xa3: {  	s30 =	simm.s32 $0x8;
	s31 =	simm.s32 $0x7  }
.LBB2_2:
0xa4: {  	v8 =	vld [tilespmem:s30+$0xFFFFFFF8];
	_ =	sdelay $0x4  }
0xa5: {  	vm0 =	vgt.s32 v8, $0xF41FF;
	v9 =	vadd.s32 $0xFFF0BE40, v8;
	v8 =	vand.u32 $0x7F, v8  }
0xa6: {  	v9 =	vsel vm0, v9, v8  }
0xa7: {  	v10 =	vbroadcast v9, $0x0;
	_ =	sdelay $0x1  }
0xa8: {  	s1 =	sadd.s32 $0xFFFFFFF9, s31;
	v11 =	vadd.s32 v0, v10  }
0xa9: {  	v12 =	vmov s1  }
0xaa: {  	v13 =	vshll.u32 v12, $0x3;
	v8 =	vld [tilespmem:s30+$0x0];
	_ =	swait.ge [sflag:s9], $0x2000  }
0xab: {  	v12 =	vand.u32 $0x78, v12;
	v13 =	vand.u32 $0xC00, v13;
	[sflag:s9] =	ssyncset.done $0x0  }
0xac: {  	v12 =	vor.u32 v12, v13;
	[sflag:s9] =	ssyncadd.s32 $0xFFFFE000  }
0xad: {  	v13 =	vor.u32 v1, v12;
	v11 =	vld.idx.msk [tilespmem:v11+s10+$0x0], $0xffff  }
0xae: {  	v14 =	vadd.s32 v2, v10;
	_ =	sdelay $0x2  }
0xaf: {  	p0 =	seq.s32 s31, $0x1FF  }
0xb0: {  	(v2sf) =	vpush @!p0 v8, $0x0;
	[tilespmem:v13+s11+$0x0] =	vst.idx.msk $0xffff, v11  }
0xb1: {  	v20 =	vor.u32 v3, v12;
	v11 =	vld.idx.msk [tilespmem:v14+s10+$0x0], $0xffff  }
0xb2: {  	v21 =	vadd.s32 v4, v10;
	_ =	sdelay $0x3  }
0xb3: {  	[tilespmem:v20+s11+$0x0] =	vst.idx.msk $0xffff, v11  }
0xb4: {  	v22 =	vor.u32 v5, v12;
	v11 =	vld.idx.msk [tilespmem:v21+s10+$0x0], $0xffff  }
0xb5: {  	v10 =	vadd.s32 v6, v10;
	_ =	sdelay $0x3  }
0xb6: {  	[tilespmem:v22+s11+$0x0] =	vst.idx.msk $0xffff, v11  }
0xb7: {  	v11 =	vor.u32 v7, v12;
	v10 =	vld.idx.msk [tilespmem:v10+s10+$0x0], $0xffff;
	_ =	sdelay $0x1  }
0xb8: {  	s1 =	spop @!p0 (v2sf)  }
0xb9: {  	p2 =	sgt.s32 @!p0 s1, $0xF41FF  }
0xba: {  	p1 =	por !p2, p0  }
0xbb: {  	s3 =	simm.s32 @!p1 $0x0;
	s2 =	simm.s32 @!p1 $0x280;
	[tilespmem:v11+s11+$0x0] =	vst.idx.msk $0xffff, v10  }
0xbc: {  	[tilespmem:s2], [sflag:$0x1] =	stream.linear.gather @!p1 [hbm4b:s4+s3], $0x2000, $0x38;
	[tilespmem:$0x18280] =	vst v63  }
0xbd: {  	p1 =	por p2, p0  }
0xbe: {  	s2 =	sand.u32 @!p1 $0x7F, s1  }
0xbf: {  	p3 =	slt.s32 @!p1 s1, $0x1;
	p4 =	sne.s32 @!p1 s2, $0x0  }
0xc0: {  	p3 =	por @!p1 !p3, !p4  }
0xc1: {  	s2 =	sshra.s32 @!p1 s1, $0x1F;
	p3 =	por @!p1 !p3, !p3  }
0xc2: {  	s2 =	sshrl.u32 @!p1 s2, $0x19;
	p2 =	por @!p0 !p3, p2  }
0xc3: {  	s1 =	sadd.s32 @!p1 s2, s1;
	s2 =	simm.s32 @!p1 $0x1;
	p2 =	por !p2, p0  }
0xc4: {  	s1 =	sshrl.u32 @!p1 s1, $0x7;
	s2 =	simm.s32 @!p2 $0x0  }
0xc5: {  	s1 =	ssub.s32 @!p1 s1, s2  }
0xc6: {  	s28 =	sadd.s32 $0xFFFFFFFA, s31;
	v10 =	vbroadcast v9, $0x1;
	s1 =	sshll.u32 @!p1 s1, $0x7  }
0xc7: {  	s3 =	simm.s32 @!p1 $0x7A1400;
	s1 =	sand.u32 @!p1 $0x1FFFFF80, s1  }
0xc8: {  	s26 =	simm.s32 @!p1 $0x280;
	v11 =	vadd.s32 v0, v10;
	s2 =	simm.s32 @!p1 $0x400;
	s1 =	sadd.s32 @!p1 s0, s1  }
0xc9: {  	v23 =	vmov s28;
	[tilespmem:s26], [sflag:$0x1] =	stream.strided.gather @!p1 [hbm4b:s1+s2], $0x2000, s3, s2, $0x38;
	[tilespmem:$0x18280] =	vst v63  }
0xca: {  	v24 =	vshll.u32 v23, $0x3;
	_ =	swait.ge [sflag:s12], $0x2000  }
0xcb: {  	v13 =	vand.u32 $0xC00, v24;
	v12 =	vand.u32 $0x79, v23;
	[sflag:s12] =	ssyncset.done $0x0  }
0xcc: {  	v12 =	vor.u32 v12, v13;
	[sflag:s12] =	ssyncadd.s32 $0xFFFFE000  }
0xcd: {  	v13 =	vor.u32 v1, v12;
	v11 =	vld.idx.msk [tilespmem:v11+s13+$0x0], $0xffff  }
0xce: {  	v25 =	vadd.s32 v2, v10;
	_ =	sdelay $0x3  }
0xcf: {  	(v2sf) =	vpush @!p0 v8, $0x1;
	[tilespmem:v13+s11+$0x0] =	vst.idx.msk $0xffff, v11  }
0xd0: {  	v26 =	vor.u32 v3, v12;
	v11 =	vld.idx.msk [tilespmem:v25+s13+$0x0], $0xffff  }
0xd1: {  	v27 =	vadd.s32 v4, v10;
	_ =	sdelay $0x3  }
0xd2: {  	[tilespmem:v26+s11+$0x0] =	vst.idx.msk $0xffff, v11  }
0xd3: {  	v28 =	vor.u32 v5, v12;
	v11 =	vld.idx.msk [tilespmem:v27+s13+$0x0], $0xffff  }
0xd4: {  	v10 =	vadd.s32 v6, v10;
	_ =	sdelay $0x3  }
0xd5: {  	[tilespmem:v28+s11+$0x0] =	vst.idx.msk $0xffff, v11  }
0xd6: {  	v11 =	vor.u32 v7, v12;
	v10 =	vld.idx.msk [tilespmem:v10+s13+$0x0], $0xffff;
	_ =	sdelay $0x1  }
0xd7: {  	s1 =	spop @!p0 (v2sf)  }
0xd8: {  	p2 =	sgt.s32 @!p0 s1, $0xF41FF  }
0xd9: {  	p1 =	por !p2, p0  }
0xda: {  	s2 =	simm.s32 @!p1 $0x0;
	s3 =	simm.s32 @!p1 $0x2280;
	[tilespmem:v11+s11+$0x0] =	vst.idx.msk $0xffff, v10  }
0xdb: {  	[tilespmem:s3], [sflag:$0x2] =	stream.linear.gather @!p1 [hbm4b:s4+s2], $0x2000, $0x38;
	[tilespmem:$0x18280] =	vst v63  }
0xdc: {  	p1 =	por p2, p0  }
0xdd: {  	s2 =	sand.u32 @!p1 $0x7F, s1  }
0xde: {  	p3 =	slt.s32 @!p1 s1, $0x1;
	p4 =	sne.s32 @!p1 s2, $0x0  }
0xdf: {  	p3 =	por @!p1 !p3, !p4  }
0xe0: {  	s2 =	sshra.s32 @!p1 s1, $0x1F;
	p3 =	por @!p1 !p3, !p3  }
0xe1: {  	s2 =	sshrl.u32 @!p1 s2, $0x19;
	p2 =	por @!p0 !p3, p2  }
0xe2: {  	s1 =	sadd.s32 @!p1 s2, s1;
	s2 =	simm.s32 @!p1 $0x1;
	p2 =	por !p2, p0  }
0xe3: {  	s1 =	sshrl.u32 @!p1 s1, $0x7;
	s2 =	simm.s32 @!p2 $0x0  }
0xe4: {  	s1 =	ssub.s32 @!p1 s1, s2  }
0xe5: {  	s28 =	sadd.s32 $0xFFFFFFFB, s31;
	v10 =	vbroadcast v9, $0x2;
	s1 =	sshll.u32 @!p1 s1, $0x7  }
0xe6: {  	s3 =	simm.s32 @!p1 $0x7A1400;
	s1 =	sand.u32 @!p1 $0x1FFFFF80, s1  }
0xe7: {  	s26 =	simm.s32 @!p1 $0x2280;
	v11 =	vadd.s32 v0, v10;
	s2 =	simm.s32 @!p1 $0x400;
	s1 =	sadd.s32 @!p1 s0, s1  }
0xe8: {  	v29 =	vmov s28;
	[tilespmem:s26], [sflag:$0x2] =	stream.strided.gather @!p1 [hbm4b:s1+s2], $0x2000, s3, s2, $0x38;
	[tilespmem:$0x18280] =	vst v63  }
0xe9: {  	v30 =	vshll.u32 v29, $0x3;
	_ =	swait.ge [sflag:s14], $0x2000  }
0xea: {  	v13 =	vand.u32 $0xC00, v30;
	v12 =	vand.u32 $0x7A, v29;
	[sflag:s14] =	ssyncset.done $0x0  }
0xeb: {  	v12 =	vor.u32 v12, v13;
	[sflag:s14] =	ssyncadd.s32 $0xFFFFE000  }
0xec: {  	v13 =	vor.u32 v1, v12;
	v11 =	vld.idx.msk [tilespmem:v11+s15+$0x0], $0xffff  }
0xed: {  	v31 =	vadd.s32 v2, v10;
	_ =	sdelay $0x3  }
0xee: {  	(v2sf) =	vpush @!p0 v8, $0x2;
	[tilespmem:v13+s11+$0x0] =	vst.idx.msk $0xffff, v11  }
0xef: {  	v32 =	vor.u32 v3, v12;
	v11 =	vld.idx.msk [tilespmem:v31+s15+$0x0], $0xffff  }
0xf0: {  	v33 =	vadd.s32 v4, v10;
	_ =	sdelay $0x3  }
0xf1: {  	[tilespmem:v32+s11+$0x0] =	vst.idx.msk $0xffff, v11  }
0xf2: {  	v34 =	vor.u32 v5, v12;
	v11 =	vld.idx.msk [tilespmem:v33+s15+$0x0], $0xffff  }
0xf3: {  	v10 =	vadd.s32 v6, v10;
	_ =	sdelay $0x3  }
0xf4: {  	[tilespmem:v34+s11+$0x0] =	vst.idx.msk $0xffff, v11  }
0xf5: {  	v11 =	vor.u32 v7, v12;
	v10 =	vld.idx.msk [tilespmem:v10+s15+$0x0], $0xffff;
	_ =	sdelay $0x1  }
0xf6: {  	s1 =	spop @!p0 (v2sf)  }
0xf7: {  	p2 =	sgt.s32 @!p0 s1, $0xF41FF  }
0xf8: {  	p1 =	por !p2, p0  }
0xf9: {  	s2 =	simm.s32 @!p1 $0x0;
	s3 =	simm.s32 @!p1 $0x4280;
	[tilespmem:v11+s11+$0x0] =	vst.idx.msk $0xffff, v10  }
0xfa: {  	[tilespmem:s3], [sflag:$0x3] =	stream.linear.gather @!p1 [hbm4b:s4+s2], $0x2000, $0x38;
	[tilespmem:$0x18280] =	vst v63  }
0xfb: {  	p1 =	por p2, p0  }
0xfc: {  	s2 =	sand.u32 @!p1 $0x7F, s1  }
0xfd: {  	p3 =	slt.s32 @!p1 s1, $0x1;
	p4 =	sne.s32 @!p1 s2, $0x0  }
0xfe: {  	p3 =	por @!p1 !p3, !p4  }
0xff: {  	s2 =	sshra.s32 @!p1 s1, $0x1F;
	p3 =	por @!p1 !p3, !p3  }
0x100: {  	s2 =	sshrl.u32 @!p1 s2, $0x19;
	p2 =	por @!p0 !p3, p2  }
0x101: {  	s1 =	sadd.s32 @!p1 s2, s1;
	s2 =	simm.s32 @!p1 $0x1;
	p2 =	por !p2, p0  }
0x102: {  	s1 =	sshrl.u32 @!p1 s1, $0x7;
	s2 =	simm.s32 @!p2 $0x0  }
0x103: {  	s1 =	ssub.s32 @!p1 s1, s2  }
0x104: {  	s28 =	sadd.s32 $0xFFFFFFFC, s31;
	v10 =	vbroadcast v9, $0x3;
	s1 =	sshll.u32 @!p1 s1, $0x7  }
0x105: {  	s3 =	simm.s32 @!p1 $0x7A1400;
	s1 =	sand.u32 @!p1 $0x1FFFFF80, s1  }
0x106: {  	s26 =	simm.s32 @!p1 $0x4280;
	v11 =	vadd.s32 v0, v10;
	s2 =	simm.s32 @!p1 $0x400;
	s1 =	sadd.s32 @!p1 s0, s1  }
0x107: {  	v35 =	vmov s28;
	[tilespmem:s26], [sflag:$0x3] =	stream.strided.gather @!p1 [hbm4b:s1+s2], $0x2000, s3, s2, $0x38;
	[tilespmem:$0x18280] =	vst v63  }
0x108: {  	v36 =	vshll.u32 v35, $0x3;
	_ =	swait.ge [sflag:s16], $0x2000  }
0x109: {  	v13 =	vand.u32 $0xC00, v36;
	v12 =	vand.u32 $0x7B, v35;
	[sflag:s16] =	ssyncset.done $0x0  }
0x10a: {  	v12 =	vor.u32 v12, v13;
	[sflag:s16] =	ssyncadd.s32 $0xFFFFE000  }
0x10b: {  	v13 =	vor.u32 v1, v12;
	v11 =	vld.idx.msk [tilespmem:v11+s17+$0x0], $0xffff  }
0x10c: {  	v37 =	vadd.s32 v2, v10;
	_ =	sdelay $0x3  }
0x10d: {  	(v2sf) =	vpush @!p0 v8, $0x3;
	[tilespmem:v13+s11+$0x0] =	vst.idx.msk $0xffff, v11  }
0x10e: {  	v38 =	vor.u32 v3, v12;
	v11 =	vld.idx.msk [tilespmem:v37+s17+$0x0], $0xffff  }
0x10f: {  	v39 =	vadd.s32 v4, v10;
	_ =	sdelay $0x3  }
0x110: {  	[tilespmem:v38+s11+$0x0] =	vst.idx.msk $0xffff, v11  }
0x111: {  	v40 =	vor.u32 v5, v12;
	v11 =	vld.idx.msk [tilespmem:v39+s17+$0x0], $0xffff  }
0x112: {  	v10 =	vadd.s32 v6, v10;
	_ =	sdelay $0x3  }
0x113: {  	[tilespmem:v40+s11+$0x0] =	vst.idx.msk $0xffff, v11  }
0x114: {  	v11 =	vor.u32 v7, v12;
	v10 =	vld.idx.msk [tilespmem:v10+s17+$0x0], $0xffff;
	_ =	sdelay $0x1  }
0x115: {  	s1 =	spop @!p0 (v2sf)  }
0x116: {  	p2 =	sgt.s32 @!p0 s1, $0xF41FF  }
0x117: {  	p1 =	por !p2, p0  }
0x118: {  	s2 =	simm.s32 @!p1 $0x0;
	s3 =	simm.s32 @!p1 $0x6280;
	[tilespmem:v11+s11+$0x0] =	vst.idx.msk $0xffff, v10  }
0x119: {  	[tilespmem:s3], [sflag:$0x4] =	stream.linear.gather @!p1 [hbm4b:s4+s2], $0x2000, $0x38;
	[tilespmem:$0x18280] =	vst v63  }
0x11a: {  	p1 =	por p2, p0  }
0x11b: {  	s2 =	sand.u32 @!p1 $0x7F, s1  }
0x11c: {  	p3 =	slt.s32 @!p1 s1, $0x1;
	p4 =	sne.s32 @!p1 s2, $0x0  }
0x11d: {  	p3 =	por @!p1 !p3, !p4  }
0x11e: {  	s2 =	sshra.s32 @!p1 s1, $0x1F;
	p3 =	por @!p1 !p3, !p3  }
0x11f: {  	s2 =	sshrl.u32 @!p1 s2, $0x19;
	p2 =	por @!p0 !p3, p2  }
0x120: {  	s1 =	sadd.s32 @!p1 s2, s1;
	s2 =	simm.s32 @!p1 $0x1;
	p2 =	por !p2, p0  }
0x121: {  	s1 =	sshrl.u32 @!p1 s1, $0x7;
	s2 =	simm.s32 @!p2 $0x0  }
0x122: {  	s1 =	ssub.s32 @!p1 s1, s2  }
0x123: {  	s28 =	sadd.s32 $0xFFFFFFFD, s31;
	v10 =	vbroadcast v9, $0x4;
	s1 =	sshll.u32 @!p1 s1, $0x7  }
0x124: {  	s3 =	simm.s32 @!p1 $0x7A1400;
	s1 =	sand.u32 @!p1 $0x1FFFFF80, s1  }
0x125: {  	s26 =	simm.s32 @!p1 $0x6280;
	v11 =	vadd.s32 v0, v10;
	s2 =	simm.s32 @!p1 $0x400;
	s1 =	sadd.s32 @!p1 s0, s1  }
0x126: {  	v41 =	vmov s28;
	[tilespmem:s26], [sflag:$0x4] =	stream.strided.gather @!p1 [hbm4b:s1+s2], $0x2000, s3, s2, $0x38;
	[tilespmem:$0x18280] =	vst v63  }
0x127: {  	v42 =	vshll.u32 v41, $0x3;
	_ =	swait.ge [sflag:s18], $0x2000  }
0x128: {  	v13 =	vand.u32 $0xC00, v42;
	v12 =	vand.u32 $0x7C, v41;
	[sflag:s18] =	ssyncset.done $0x0  }
0x129: {  	v12 =	vor.u32 v12, v13;
	[sflag:s18] =	ssyncadd.s32 $0xFFFFE000  }
0x12a: {  	v13 =	vor.u32 v1, v12;
	v11 =	vld.idx.msk [tilespmem:v11+s19+$0x0], $0xffff  }
0x12b: {  	v43 =	vadd.s32 v2, v10;
	_ =	sdelay $0x3  }
0x12c: {  	(v2sf) =	vpush @!p0 v8, $0x4;
	[tilespmem:v13+s11+$0x0] =	vst.idx.msk $0xffff, v11  }
0x12d: {  	v44 =	vor.u32 v3, v12;
	v11 =	vld.idx.msk [tilespmem:v43+s19+$0x0], $0xffff  }
0x12e: {  	v45 =	vadd.s32 v4, v10;
	_ =	sdelay $0x3  }
0x12f: {  	[tilespmem:v44+s11+$0x0] =	vst.idx.msk $0xffff, v11  }
0x130: {  	v46 =	vor.u32 v5, v12;
	v11 =	vld.idx.msk [tilespmem:v45+s19+$0x0], $0xffff  }
0x131: {  	v10 =	vadd.s32 v6, v10;
	_ =	sdelay $0x3  }
0x132: {  	[tilespmem:v46+s11+$0x0] =	vst.idx.msk $0xffff, v11  }
0x133: {  	v11 =	vor.u32 v7, v12;
	v10 =	vld.idx.msk [tilespmem:v10+s19+$0x0], $0xffff;
	_ =	sdelay $0x1  }
0x134: {  	s1 =	spop @!p0 (v2sf)  }
0x135: {  	p2 =	sgt.s32 @!p0 s1, $0xF41FF  }
0x136: {  	p1 =	por !p2, p0  }
0x137: {  	s2 =	simm.s32 @!p1 $0x0;
	s3 =	simm.s32 @!p1 $0x8280;
	[tilespmem:v11+s11+$0x0] =	vst.idx.msk $0xffff, v10  }
0x138: {  	[tilespmem:s3], [sflag:$0x5] =	stream.linear.gather @!p1 [hbm4b:s4+s2], $0x2000, $0x38;
	[tilespmem:$0x18280] =	vst v63  }
0x139: {  	p1 =	por p2, p0  }
0x13a: {  	s2 =	sand.u32 @!p1 $0x7F, s1  }
0x13b: {  	p3 =	slt.s32 @!p1 s1, $0x1;
	p4 =	sne.s32 @!p1 s2, $0x0  }
0x13c: {  	p3 =	por @!p1 !p3, !p4  }
0x13d: {  	s2 =	sshra.s32 @!p1 s1, $0x1F;
	p3 =	por @!p1 !p3, !p3  }
0x13e: {  	s2 =	sshrl.u32 @!p1 s2, $0x19;
	p2 =	por @!p0 !p3, p2  }
0x13f: {  	s1 =	sadd.s32 @!p1 s2, s1;
	s2 =	simm.s32 @!p1 $0x1;
	p2 =	por !p2, p0  }
0x140: {  	s1 =	sshrl.u32 @!p1 s1, $0x7;
	s2 =	simm.s32 @!p2 $0x0  }
0x141: {  	s1 =	ssub.s32 @!p1 s1, s2  }
0x142: {  	s28 =	sadd.s32 $0xFFFFFFFE, s31;
	v10 =	vbroadcast v9, $0x5;
	s1 =	sshll.u32 @!p1 s1, $0x7  }
0x143: {  	s3 =	simm.s32 @!p1 $0x7A1400;
	s1 =	sand.u32 @!p1 $0x1FFFFF80, s1  }
0x144: {  	s26 =	simm.s32 @!p1 $0x8280;
	v11 =	vadd.s32 v0, v10;
	s2 =	simm.s32 @!p1 $0x400;
	s1 =	sadd.s32 @!p1 s0, s1  }
0x145: {  	v47 =	vmov s28;
	[tilespmem:s26], [sflag:$0x5] =	stream.strided.gather @!p1 [hbm4b:s1+s2], $0x2000, s3, s2, $0x38;
	[tilespmem:$0x18280] =	vst v63  }
0x146: {  	v48 =	vshll.u32 v47, $0x3;
	_ =	swait.ge [sflag:s20], $0x2000  }
0x147: {  	v13 =	vand.u32 $0xC00, v48;
	v12 =	vand.u32 $0x7D, v47;
	[sflag:s20] =	ssyncset.done $0x0  }
0x148: {  	v12 =	vor.u32 v12, v13;
	[sflag:s20] =	ssyncadd.s32 $0xFFFFE000  }
0x149: {  	v13 =	vor.u32 v1, v12;
	v11 =	vld.idx.msk [tilespmem:v11+s21+$0x0], $0xffff  }
0x14a: {  	v49 =	vadd.s32 v2, v10;
	_ =	sdelay $0x3  }
0x14b: {  	(v2sf) =	vpush @!p0 v8, $0x5;
	[tilespmem:v13+s11+$0x0] =	vst.idx.msk $0xffff, v11  }
0x14c: {  	v50 =	vor.u32 v3, v12;
	v11 =	vld.idx.msk [tilespmem:v49+s21+$0x0], $0xffff  }
0x14d: {  	v51 =	vadd.s32 v4, v10;
	_ =	sdelay $0x3  }
0x14e: {  	[tilespmem:v50+s11+$0x0] =	vst.idx.msk $0xffff, v11  }
0x14f: {  	v52 =	vor.u32 v5, v12;
	v11 =	vld.idx.msk [tilespmem:v51+s21+$0x0], $0xffff  }
0x150: {  	v10 =	vadd.s32 v6, v10;
	_ =	sdelay $0x3  }
0x151: {  	[tilespmem:v52+s11+$0x0] =	vst.idx.msk $0xffff, v11  }
0x152: {  	v11 =	vor.u32 v7, v12;
	v10 =	vld.idx.msk [tilespmem:v10+s21+$0x0], $0xffff;
	_ =	sdelay $0x1  }
0x153: {  	s1 =	spop @!p0 (v2sf)  }
0x154: {  	p2 =	sgt.s32 @!p0 s1, $0xF41FF  }
0x155: {  	p1 =	por !p2, p0  }
0x156: {  	s2 =	simm.s32 @!p1 $0x0;
	s3 =	simm.s32 @!p1 $0xA280;
	[tilespmem:v11+s11+$0x0] =	vst.idx.msk $0xffff, v10  }
0x157: {  	[tilespmem:s3], [sflag:$0x6] =	stream.linear.gather @!p1 [hbm4b:s4+s2], $0x2000, $0x38;
	[tilespmem:$0x18280] =	vst v63  }
0x158: {  	p1 =	por p2, p0  }
0x159: {  	s2 =	sand.u32 @!p1 $0x7F, s1  }
0x15a: {  	p3 =	slt.s32 @!p1 s1, $0x1;
	p4 =	sne.s32 @!p1 s2, $0x0  }
0x15b: {  	p3 =	por @!p1 !p3, !p4  }
0x15c: {  	s2 =	sshra.s32 @!p1 s1, $0x1F;
	p3 =	por @!p1 !p3, !p3  }
0x15d: {  	s2 =	sshrl.u32 @!p1 s2, $0x19;
	p2 =	por @!p0 !p3, p2  }
0x15e: {  	s1 =	sadd.s32 @!p1 s2, s1;
	s2 =	simm.s32 @!p1 $0x1;
	p2 =	por !p2, p0  }
0x15f: {  	s1 =	sshrl.u32 @!p1 s1, $0x7;
	s2 =	simm.s32 @!p2 $0x0  }
0x160: {  	s1 =	ssub.s32 @!p1 s1, s2  }
0x161: {  	v10 =	vbroadcast v9, $0x6;
	s1 =	sshll.u32 @!p1 s1, $0x7  }
0x162: {  	s28 =	sadd.s32 $0xFFFFFFFF, s31;
	s3 =	simm.s32 @!p1 $0x7A1400;
	s1 =	sand.u32 @!p1 $0x1FFFFF80, s1  }
0x163: {  	s26 =	simm.s32 @!p1 $0xA280;
	v11 =	vadd.s32 v0, v10;
	s2 =	simm.s32 @!p1 $0x400;
	s1 =	sadd.s32 @!p1 s0, s1  }
0x164: {  	v53 =	vmov s28;
	[tilespmem:s26], [sflag:$0x6] =	stream.strided.gather @!p1 [hbm4b:s1+s2], $0x2000, s3, s2, $0x38;
	[tilespmem:$0x18280] =	vst v63  }
0x165: {  	v54 =	vshll.u32 v53, $0x3;
	_ =	swait.ge [sflag:s22], $0x2000  }
0x166: {  	v13 =	vand.u32 $0xC00, v54;
	v12 =	vand.u32 $0x7E, v53;
	[sflag:s22] =	ssyncset.done $0x0  }
0x167: {  	v12 =	vor.u32 v12, v13;
	[sflag:s22] =	ssyncadd.s32 $0xFFFFE000  }
0x168: {  	v13 =	vor.u32 v1, v12;
	v11 =	vld.idx.msk [tilespmem:v11+s23+$0x0], $0xffff  }
0x169: {  	v55 =	vadd.s32 v2, v10;
	_ =	sdelay $0x3  }
0x16a: {  	(v2sf) =	vpush @!p0 v8, $0x6;
	[tilespmem:v13+s11+$0x0] =	vst.idx.msk $0xffff, v11  }
0x16b: {  	v56 =	vor.u32 v3, v12;
	v11 =	vld.idx.msk [tilespmem:v55+s23+$0x0], $0xffff  }
0x16c: {  	v57 =	vadd.s32 v4, v10;
	_ =	sdelay $0x3  }
0x16d: {  	[tilespmem:v56+s11+$0x0] =	vst.idx.msk $0xffff, v11  }
0x16e: {  	v58 =	vor.u32 v5, v12;
	v11 =	vld.idx.msk [tilespmem:v57+s23+$0x0], $0xffff  }
0x16f: {  	v10 =	vadd.s32 v6, v10;
	_ =	sdelay $0x3  }
0x170: {  	[tilespmem:v58+s11+$0x0] =	vst.idx.msk $0xffff, v11  }
0x171: {  	v11 =	vor.u32 v7, v12;
	v10 =	vld.idx.msk [tilespmem:v10+s23+$0x0], $0xffff;
	_ =	sdelay $0x1  }
0x172: {  	s1 =	spop @!p0 (v2sf)  }
0x173: {  	p2 =	sgt.s32 @!p0 s1, $0xF41FF  }
0x174: {  	p1 =	por !p2, p0  }
0x175: {  	s2 =	simm.s32 @!p1 $0x0;
	s3 =	simm.s32 @!p1 $0xC280;
	[tilespmem:v11+s11+$0x0] =	vst.idx.msk $0xffff, v10  }
0x176: {  	[tilespmem:s3], [sflag:$0x7] =	stream.linear.gather @!p1 [hbm4b:s4+s2], $0x2000, $0x38;
	[tilespmem:$0x18280] =	vst v63  }
0x177: {  	p1 =	por p2, p0  }
0x178: {  	s2 =	sand.u32 @!p1 $0x7F, s1  }
0x179: {  	p3 =	slt.s32 @!p1 s1, $0x1;
	p4 =	sne.s32 @!p1 s2, $0x0  }
0x17a: {  	p3 =	por @!p1 !p3, !p4  }
0x17b: {  	s2 =	sshra.s32 @!p1 s1, $0x1F;
	p3 =	por @!p1 !p3, !p3  }
0x17c: {  	s2 =	sshrl.u32 @!p1 s2, $0x19;
	p2 =	por @!p0 !p3, p2  }
0x17d: {  	s1 =	sadd.s32 @!p1 s2, s1;
	s2 =	simm.s32 @!p1 $0x1;
	p2 =	por !p2, p0  }
0x17e: {  	s1 =	sshrl.u32 @!p1 s1, $0x7;
	s2 =	simm.s32 @!p2 $0x0  }
0x17f: {  	s1 =	ssub.s32 @!p1 s1, s2  }
0x180: {  	v9 =	vbroadcast v9, $0x7;
	s1 =	sshll.u32 @!p1 s1, $0x7  }
0x181: {  	s3 =	simm.s32 @!p1 $0x7A1400;
	s1 =	sand.u32 @!p1 $0x1FFFFF80, s1  }
0x182: {  	v10 =	vadd.s32 v0, v9;
	s26 =	simm.s32 @!p1 $0xC280;
	s2 =	simm.s32 @!p1 $0x400;
	s1 =	sadd.s32 @!p1 s0, s1  }
0x183: {  	v11 =	vmov s31;
	[tilespmem:s26], [sflag:$0x7] =	stream.strided.gather @!p1 [hbm4b:s1+s2], $0x2000, s3, s2, $0x38;
	[tilespmem:$0x18280] =	vst v63  }
0x184: {  	v59 =	vshll.u32 v11, $0x3;
	_ =	swait.ge [sflag:s24], $0x2000  }
0x185: {  	v11 =	vand.u32 $0x7F, v11;
	v12 =	vand.u32 $0xC00, v59;
	[sflag:s24] =	ssyncset.done $0x0  }
0x186: {  	v11 =	vor.u32 v11, v12;
	[sflag:s24] =	ssyncadd.s32 $0xFFFFE000  }
0x187: {  	v12 =	vor.u32 v1, v11;
	v10 =	vld.idx.msk [tilespmem:v10+s25+$0x0], $0xffff  }
0x188: {  	v60 =	vadd.s32 v2, v9;
	_ =	sdelay $0x3  }
0x189: {  	[tilespmem:v12+s11+$0x0] =	vst.idx.msk $0xffff, v10  }
0x18a: {  	v61 =	vor.u32 v3, v11;
	v10 =	vld.idx.msk [tilespmem:v60+s25+$0x0], $0xffff  }
0x18b: {  	v62 =	vadd.s32 v4, v9;
	_ =	sdelay $0x3  }
0x18c: {  	[tilespmem:v61+s11+$0x0] =	vst.idx.msk $0xffff, v10  }
0x18d: {  	v63 =	vor.u32 v5, v11;
	v10 =	vld.idx.msk [tilespmem:v62+s25+$0x0], $0xffff  }
0x18e: {  	v9 =	vadd.s32 v6, v9;
	_ =	sdelay $0x3  }
0x18f: {  	[tilespmem:v63+s11+$0x0] =	vst.idx.msk $0xffff, v10  }
0x190: {  	v10 =	vor.u32 v7, v11;
	v9 =	vld.idx.msk [tilespmem:v9+s25+$0x0], $0xffff  }
.Ltmp2:
0x191: {  	_ = 	snop;
	(pc) =	sbr.rel @p0 .LBB2_4-.Ltmp2, $2  }
0x192: {  	_ =	sdelay $0x2  }
0x193: {  	[tilespmem:v10+s11+$0x0] =	vst.idx.msk $0xffff, v9  }
0x194: {  	(v2sf) =	vpush v8, $0x7;
	_ =	sdelay $0xe  }
0x195: {  	s1 =	spop (v2sf)  }
0x196: {  	p0 =	sgt.s32 s1, $0xF41FF  }
0x197: {  	s2 =	simm.s32 @p0 $0x0;
	s3 =	simm.s32 @p0 $0xE280  }
0x198: {  	[tilespmem:s3], [sflag:$0x8] =	stream.linear.gather @p0 [hbm4b:s4+s2], $0x2000, $0x38;
	[tilespmem:$0x18280] =	vst v63  }
0x199: {  	s2 =	sand.u32 @!p0 $0x7F, s1  }
0x19a: {  	p1 =	slt.s32 @!p0 s1, $0x1;
	p2 =	sne.s32 @!p0 s2, $0x0  }
0x19b: {  	s2 =	sshra.s32 @!p0 s1, $0x1F;
	p1 =	por @!p0 !p1, !p2  }
0x19c: {  	s2 =	sshrl.u32 @!p0 s2, $0x19;
	p1 =	por @!p0 !p1, !p1  }
0x19d: {  	s1 =	sadd.s32 @!p0 s2, s1;
	s2 =	simm.s32 @!p0 $0x1;
	p1 =	por !p1, p0  }
0x19e: {  	s1 =	sshrl.u32 @!p0 s1, $0x7;
	s2 =	simm.s32 @p1 $0x0  }
.Ltmp3:
0x19f: {  	s1 =	ssub.s32 @!p0 s1, s2;
	(pc) =	sbr.rel .LBB2_2-.Ltmp3, $4  }
0x1a0: {  	s31 =	sadd.s32 $0x8, s31;
	s1 =	sshll.u32 @!p0 s1, $0x7  }
0x1a1: {  	s30 =	sadd.s32 $0x8, s30;
	s26 =	simm.s32 @!p0 $0xE280;
	s1 =	sand.u32 @!p0 $0x1FFFFF80, s1  }
0x1a2: {  	s3 =	simm.s32 @!p0 $0x7A1400;
	s2 =	simm.s32 @!p0 $0x400;
	s1 =	sadd.s32 @!p0 s0, s1  }
0x1a3: {  	[tilespmem:s26], [sflag:$0x8] =	stream.strided.gather @!p0 [hbm4b:s1+s2], $0x2000, s3, s2, $0x38;
	[tilespmem:$0x18280] =	vst v63  }
.LBB2_5:
0x1a4: {  	_ =	sfence.sel $0x180000  }
0x1a5: {  	[bflag:$0x0] =	sbarrier.arrive $0xFFFF  }
0x1a6: {  	_ =	strace $0x90000047  }
0x1a7: {  	s0 =	stileid.u32;
	[bflag:$0x2] =	sbarrier.arrive $0xFFFF  }
0x1a8: {  	p0 =	sne.s32 s0, $0x0;
	s0 =	rddreg [dreg:$0x4]  }
0x1a9: {  	s0 =	sadd.s32 @!p0 $0x100000, s0  }
0x1aa: {  	[sflag:s0] =	ssyncadd.tile.s32 @!p0 $0x1;
	_ =	shalt  }
.Lfunc_end2:
_tile_overlayer_lowered:
.L_overlay_start_2:
0x1ab: {  	(tag) =	ssettag $0x2  }
0x1ac: {  	s0 =	rddreg [dreg:$0x0];
	s2 =	stileid.u32  }
0x1ad: {  	s1 =	rddreg [dreg:$0x1];
	p0 =	sne.s32 s2, $0x0  }
0x1ae: {  	s3 =	rddreg [dreg:$0x2];
	[bflag:$0x3] =	sbarrier.arrive $0xFFFF;
	s2 =	simm.s32 @!p0 $0x1C09  }
0x1af: {  	[timem:s3], [sflag:s2] =	dma.local @!p0 [hbm:s0], s1  }
0x1b0: {  	s0 =	simm.s32 @!p0 $0x9  }
0x1b1: {  	_ =	swait.ge @!p0 [sflag:s0], s1  }
0x1b2: {  	s1 =	ssub.s32 @!p0 $0x0, s1;
	[sflag:s0] =	ssyncset.done @!p0 $0x0  }
0x1b3: {  	[sflag:s0] =	ssyncadd.s32 @!p0 s1  }
0x1b4: {  	[bflag:$0x3] =	sbarrier.arrive $0xFFFF  }
0x1b5: {  	_ =	shalt  }

</sc_bundles>
